<compile_context>
chip_gen: v7x
topology: tpu7x:2x2x1
jax: 0.10.2.dev20260603
libtpu: 0.0.44.dev20260713+nightly
codegen_flags: <defaults>
</compile_context>

<pallas_src>
import functools

import jax
import jax.numpy as jnp
from jax import lax
from jax.experimental import pallas as pl
from jax.experimental.pallas import tpu as pltpu
from jax.experimental.pallas import tpu_sc as plsc

L = 16
NS = 16

_LN2_HI = 0.693359375
_LN2_LO = -2.12194440e-4
_SQRT2_BITS = 0x3fb504f3


def _log16(x):
    bits = plsc.bitcast(x, jnp.int32)
    e = lax.shift_right_logical(bits, 23) - 127
    m_bits = (bits & 0x007FFFFF) | 0x3F800000
    m = plsc.bitcast(m_bits, jnp.float32)
    big = m_bits >= _SQRT2_BITS
    m = jnp.where(big, m * 0.5, m)
    e = (e + big.astype(jnp.int32)).astype(jnp.float32)
    f = m - 1.0
    z = f * f
    p = jnp.float32(7.0376836292e-2)
    p = p * f + -1.1514610310e-1
    p = p * f + 1.1676998740e-1
    p = p * f + -1.2420140846e-1
    p = p * f + 1.4249322787e-1
    p = p * f + -1.6668057665e-1
    p = p * f + 2.0000714765e-1
    p = p * f + -2.4999993993e-1
    p = p * f + 3.3333331174e-1
    y = f * z * p
    y = y + e * _LN2_LO
    y = y - 0.5 * z
    return f + y + e * _LN2_HI


def _make_sc_kernel(B, V):
    n = B // NS
    nv = n // L
    mesh = plsc.VectorSubcoreMesh(core_axis_name="c", subcore_axis_name="s",
                                  num_cores=1)

    @functools.partial(
        pl.kernel,
        out_type=[
            jax.ShapeDtypeStruct((NS, L), jnp.float32),
            jax.ShapeDtypeStruct((L,), jnp.float32),
        ],
        mesh=mesh,
        scratch_types=[
            pltpu.VMEM((n,), jnp.int32),
            pltpu.VMEM((n,), jnp.int32),
            pltpu.VMEM((n,), jnp.float32),
            pltpu.VMEM((L,), jnp.float32),
            pltpu.VMEM((NS, L), jnp.float32),
            pltpu.SemaphoreType.DMA,
        ],
        compiler_params=pltpu.CompilerParams(needs_layout_passes=False),
    )
    def sc_loss(flat_hbm, tgt_hbm, part_hbm, out_hbm,
                tgt_v, idx_v, vals_v, stage_v, all_v, sem):
        cid = lax.axis_index("c")
        sid = lax.axis_index("s")
        base = sid * n
        pltpu.sync_copy(tgt_hbm.at[pl.ds(base, n)], tgt_v)
        for j in range(nv):
            t = tgt_v[pl.ds(j * L, L)]
            row = base + j * L + lax.iota(jnp.int32, L)
            idx_v[pl.ds(j * L, L)] = (
                lax.shift_right_logical(t, 3) * 8192
                + lax.shift_right_logical(row, 7) * 1024
                + (t & 7) * 128
                + (row & 127)
            )
        pltpu.async_copy(flat_hbm.at[idx_v], vals_v, sem).wait()
        acc = _log16(vals_v[pl.ds(0, L)])
        for j in range(1, nv):
            acc = acc + _log16(vals_v[pl.ds(j * L, L)])
        stage_v[...] = acc

        @pl.when(cid == 0)
        def _():
            pltpu.sync_copy(stage_v, part_hbm.at[sid])

        plsc.subcore_barrier()

        @pl.when((sid == 0) & (cid == 0))
        def _():
            pltpu.sync_copy(part_hbm, all_v)
            tot = all_v[0]
            for k in range(1, NS):
                tot = tot + all_v[k]
            s = jnp.sum(tot)
            stage_v[...] = jnp.full((L,), s * (-1.0 / B), jnp.float32)
            pltpu.sync_copy(stage_v, out_hbm)

    return sc_loss


def kernel(input, target):
    B, V = input.shape
    perm = jnp.transpose(input.reshape(B // 128, 128, V // 8, 8), (2, 0, 3, 1))
    flat = perm.reshape(B * V)
    tgt = target.astype(jnp.int32)
    _, out = _make_sc_kernel(B, V)(flat, tgt)
    return out[0]

# --- scband reference (transcript-rebuilt; emitter-appended) ---
"""Pipeline reference for scband-max-prob-loss-8684423873120 (READ-ONLY COPY).

The authoritative reference and input builder live on the scoring server;
editing this copy changes nothing except your own understanding.
"""

import jax, jax.numpy as jnp
import numpy as np

B = 1024
V = 100000

def setup_inputs(seed: int = 0) -> dict:
    key = jax.random.key(seed)
    k1, k2 = jax.random.split(key)
    inp = jax.random.uniform(k1, (B, V), dtype=jnp.float32, minval=1e-6, maxval=1.0)
    target = jax.random.randint(k2, (B,), 0, V, dtype=jnp.int64 if jax.config.jax_enable_x64 else jnp.int32)
    return {"input": inp, "target": target}

def reference(input, target):
    idx = jnp.arange(target.shape[0])
    gathered = input[idx, target]
    logprob = jnp.sum(jnp.log(gathered))
    return -logprob / target.shape[0]

if __name__ == "__main__":
    import jax
    _d = setup_inputs()
    print(jax.jit(kernel)(*tuple(_d.values())))

</pallas_src>

<mosaic_0001>
#map = affine_map<(d0, d1) -> (0)>
#map1 = affine_map<(d0, d1) -> (0, 0)>
module attributes {stable_mosaic.version = 14 : i64} {
  func.func @sc_loss(%arg0: i32, %arg1: i32, %arg2: memref<102400000xf32, #tpu.memory_space<hbm>>, %arg3: memref<1024xi32, #tpu.memory_space<hbm>>, %arg4: memref<16x16xf32, #tpu.memory_space<hbm>>, %arg5: memref<16xf32, #tpu.memory_space<hbm>>, %arg6: memref<64xi32, #tpu.memory_space<vmem>>, %arg7: memref<64xi32, #tpu.memory_space<vmem>>, %arg8: memref<64xf32, #tpu.memory_space<vmem>>, %arg9: memref<16xf32, #tpu.memory_space<vmem>>, %arg10: memref<16x16xf32, #tpu.memory_space<vmem>>, %arg11: memref<!tpu.dma_semaphore, #tpu.memory_space<semaphore_mem>>) attributes {dimension_semantics = [#tpu.dimension_semantics<core_parallel>, #tpu.dimension_semantics<subcore_parallel>], iteration_bounds = array<i64: 1, 16>, scalar_prefetch = 0 : i64, scratch_operands = 6 : i64, tpu.core_type = #tpu.core_type<sc_vector_subcore>, window_params = [{transform_indices = #map}, {transform_indices = #map}, {transform_indices = #map1}, {transform_indices = #map}]} {
    %mul3A = arith.constant 64 : i32
    %mul3A_0 = arith.muli %arg1, %mul3A : i32
    "tpu.region"() ({
      %run_scoped3A = tpu.sem_alloc : memref<!tpu.dma_semaphore, #tpu.memory_space<semaphore_mem>>
      %dma_start3A_455 = tpu.memref_slice %arg3[%mul3A_0] : memref<1024xi32, #tpu.memory_space<hbm>> -> memref<64xi32, #tpu.memory_space<hbm>>
      %dma_start3A_456 = tpu.memref_slice %arg3[%mul3A_0] : memref<1024xi32, #tpu.memory_space<hbm>> -> memref<64xi32, #tpu.memory_space<hbm>>
      tpu.enqueue_dma source(%dma_start3A_456 : memref<64xi32, #tpu.memory_space<hbm>>) target(%arg6 : memref<64xi32, #tpu.memory_space<vmem>>) target_semaphore(%run_scoped3A : memref<!tpu.dma_semaphore, #tpu.memory_space<semaphore_mem>>)
      %dma_wait3A_457 = tpu.memref_slice %arg3[%mul3A_0] : memref<1024xi32, #tpu.memory_space<hbm>> -> memref<64xi32, #tpu.memory_space<hbm>>
      %dma_wait3A_458 = tpu.memref_slice %arg3[%mul3A_0] : memref<1024xi32, #tpu.memory_space<hbm>> -> memref<64xi32, #tpu.memory_space<hbm>>
      tpu.wait_dma2 semaphore(%run_scoped3A : memref<!tpu.dma_semaphore, #tpu.memory_space<semaphore_mem>>) src(%dma_wait3A_458 : memref<64xi32, #tpu.memory_space<hbm>>) dst(%arg6 : memref<64xi32, #tpu.memory_space<vmem>>)
      tpu.yield
    }) : () -> ()
    %get3A = arith.constant 0 : index
    %get3A_1 = tpu.vector_load %arg6[%get3A] {strides = array<i32>} : memref<64xi32, #tpu.memory_space<vmem>>, vector<16xi32>,
    %add3A = arith.constant 0 : i32
    %add3A_2 = arith.addi %mul3A_0, %add3A : i32
    %iota3A = tpu.iota {dimensions = array<i32: 0>} : vector<16xi32>
    %add3A_3 = vector.broadcast %add3A_2 : i32 to vector<16xi32>
    %add3A_4 = arith.addi %add3A_3, %iota3A : vector<16xi32>
    %shift_right_logical3A = arith.constant 3 : i32
    %shift_right_logical3A_5 = vector.broadcast %shift_right_logical3A : i32 to vector<16xi32>
    %shift_right_logical3A_6 = arith.shrui %get3A_1, %shift_right_logical3A_5 : vector<16xi32>
    %mul3A_7 = arith.constant 8192 : i32
    %mul3A_8 = vector.broadcast %mul3A_7 : i32 to vector<16xi32>
    %mul3A_9 = arith.muli %shift_right_logical3A_6, %mul3A_8 : vector<16xi32>
    %shift_right_logical3A_10 = arith.constant 7 : i32
    %shift_right_logical3A_11 = vector.broadcast %shift_right_logical3A_10 : i32 to vector<16xi32>
    %shift_right_logical3A_12 = arith.shrui %add3A_4, %shift_right_logical3A_11 : vector<16xi32>
    %mul3A_13 = arith.constant 1024 : i32
    %mul3A_14 = vector.broadcast %mul3A_13 : i32 to vector<16xi32>
    %mul3A_15 = arith.muli %shift_right_logical3A_12, %mul3A_14 : vector<16xi32>
    %add3A_16 = arith.addi %mul3A_9, %mul3A_15 : vector<16xi32>
    %and3A = arith.constant 7 : i32
    %and3A_17 = vector.broadcast %and3A : i32 to vector<16xi32>
    %and3A_18 = arith.andi %get3A_1, %and3A_17 : vector<16xi32>
    %mul3A_19 = arith.constant 128 : i32
    %mul3A_20 = vector.broadcast %mul3A_19 : i32 to vector<16xi32>
    %mul3A_21 = arith.muli %and3A_18, %mul3A_20 : vector<16xi32>
    %add3A_22 = arith.addi %add3A_16, %mul3A_21 : vector<16xi32>
    %and3A_23 = arith.constant 127 : i32
    %and3A_24 = vector.broadcast %and3A_23 : i32 to vector<16xi32>
    %and3A_25 = arith.andi %add3A_4, %and3A_24 : vector<16xi32>
    %add3A_26 = arith.addi %add3A_22, %and3A_25 : vector<16xi32>
    %swap3A = arith.constant 0 : index
    %swap3A_27 = tpu.vector_load %arg7[%swap3A] {strides = array<i32>} : memref<64xi32, #tpu.memory_space<vmem>>, vector<16xi32>,
    tpu.vector_store %arg7[%swap3A], %add3A_26 {strides = array<i32>} : memref<64xi32, #tpu.memory_space<vmem>>, vector<16xi32>,
    %get3A_28 = arith.constant 16 : index
    %get3A_29 = tpu.vector_load %arg6[%get3A_28] {strides = array<i32>} : memref<64xi32, #tpu.memory_space<vmem>>, vector<16xi32>,
    %add3A_30 = arith.constant 16 : i32
    %add3A_31 = arith.addi %mul3A_0, %add3A_30 : i32
    %iota3A_32 = tpu.iota {dimensions = array<i32: 0>} : vector<16xi32>
    %add3A_33 = vector.broadcast %add3A_31 : i32 to vector<16xi32>
    %add3A_34 = arith.addi %add3A_33, %iota3A_32 : vector<16xi32>
    %shift_right_logical3A_35 = arith.constant 3 : i32
    %shift_right_logical3A_36 = vector.broadcast %shift_right_logical3A_35 : i32 to vector<16xi32>
    %shift_right_logical3A_37 = arith.shrui %get3A_29, %shift_right_logical3A_36 : vector<16xi32>
    %mul3A_38 = arith.constant 8192 : i32
    %mul3A_39 = vector.broadcast %mul3A_38 : i32 to vector<16xi32>
    %mul3A_40 = arith.muli %shift_right_logical3A_37, %mul3A_39 : vector<16xi32>
    %shift_right_logical3A_41 = arith.constant 7 : i32
    %shift_right_logical3A_42 = vector.broadcast %shift_right_logical3A_41 : i32 to vector<16xi32>
    %shift_right_logical3A_43 = arith.shrui %add3A_34, %shift_right_logical3A_42 : vector<16xi32>
    %mul3A_44 = arith.constant 1024 : i32
    %mul3A_45 = vector.broadcast %mul3A_44 : i32 to vector<16xi32>
    %mul3A_46 = arith.muli %shift_right_logical3A_43, %mul3A_45 : vector<16xi32>
    %add3A_47 = arith.addi %mul3A_40, %mul3A_46 : vector<16xi32>
    %and3A_48 = arith.constant 7 : i32
    %and3A_49 = vector.broadcast %and3A_48 : i32 to vector<16xi32>
    %and3A_50 = arith.andi %get3A_29, %and3A_49 : vector<16xi32>
    %mul3A_51 = arith.constant 128 : i32
    %mul3A_52 = vector.broadcast %mul3A_51 : i32 to vector<16xi32>
    %mul3A_53 = arith.muli %and3A_50, %mul3A_52 : vector<16xi32>
    %add3A_54 = arith.addi %add3A_47, %mul3A_53 : vector<16xi32>
    %and3A_55 = arith.constant 127 : i32
    %and3A_56 = vector.broadcast %and3A_55 : i32 to vector<16xi32>
    %and3A_57 = arith.andi %add3A_34, %and3A_56 : vector<16xi32>
    %add3A_58 = arith.addi %add3A_54, %and3A_57 : vector<16xi32>
    %swap3A_59 = arith.constant 16 : index
    %swap3A_60 = tpu.vector_load %arg7[%swap3A_59] {strides = array<i32>} : memref<64xi32, #tpu.memory_space<vmem>>, vector<16xi32>,
    tpu.vector_store %arg7[%swap3A_59], %add3A_58 {strides = array<i32>} : memref<64xi32, #tpu.memory_space<vmem>>, vector<16xi32>,
    %get3A_61 = arith.constant 32 : index
    %get3A_62 = tpu.vector_load %arg6[%get3A_61] {strides = array<i32>} : memref<64xi32, #tpu.memory_space<vmem>>, vector<16xi32>,
    %add3A_63 = arith.constant 32 : i32
    %add3A_64 = arith.addi %mul3A_0, %add3A_63 : i32
    %iota3A_65 = tpu.iota {dimensions = array<i32: 0>} : vector<16xi32>
    %add3A_66 = vector.broadcast %add3A_64 : i32 to vector<16xi32>
    %add3A_67 = arith.addi %add3A_66, %iota3A_65 : vector<16xi32>
    %shift_right_logical3A_68 = arith.constant 3 : i32
    %shift_right_logical3A_69 = vector.broadcast %shift_right_logical3A_68 : i32 to vector<16xi32>
    %shift_right_logical3A_70 = arith.shrui %get3A_62, %shift_right_logical3A_69 : vector<16xi32>
    %mul3A_71 = arith.constant 8192 : i32
    %mul3A_72 = vector.broadcast %mul3A_71 : i32 to vector<16xi32>
    %mul3A_73 = arith.muli %shift_right_logical3A_70, %mul3A_72 : vector<16xi32>
    %shift_right_logical3A_74 = arith.constant 7 : i32
    %shift_right_logical3A_75 = vector.broadcast %shift_right_logical3A_74 : i32 to vector<16xi32>
    %shift_right_logical3A_76 = arith.shrui %add3A_67, %shift_right_logical3A_75 : vector<16xi32>
    %mul3A_77 = arith.constant 1024 : i32
    %mul3A_78 = vector.broadcast %mul3A_77 : i32 to vector<16xi32>
    %mul3A_79 = arith.muli %shift_right_logical3A_76, %mul3A_78 : vector<16xi32>
    %add3A_80 = arith.addi %mul3A_73, %mul3A_79 : vector<16xi32>
    %and3A_81 = arith.constant 7 : i32
    %and3A_82 = vector.broadcast %and3A_81 : i32 to vector<16xi32>
    %and3A_83 = arith.andi %get3A_62, %and3A_82 : vector<16xi32>
    %mul3A_84 = arith.constant 128 : i32
    %mul3A_85 = vector.broadcast %mul3A_84 : i32 to vector<16xi32>
    %mul3A_86 = arith.muli %and3A_83, %mul3A_85 : vector<16xi32>
    %add3A_87 = arith.addi %add3A_80, %mul3A_86 : vector<16xi32>
    %and3A_88 = arith.constant 127 : i32
    %and3A_89 = vector.broadcast %and3A_88 : i32 to vector<16xi32>
    %and3A_90 = arith.andi %add3A_67, %and3A_89 : vector<16xi32>
    %add3A_91 = arith.addi %add3A_87, %and3A_90 : vector<16xi32>
    %swap3A_92 = arith.constant 32 : index
    %swap3A_93 = tpu.vector_load %arg7[%swap3A_92] {strides = array<i32>} : memref<64xi32, #tpu.memory_space<vmem>>, vector<16xi32>,
    tpu.vector_store %arg7[%swap3A_92], %add3A_91 {strides = array<i32>} : memref<64xi32, #tpu.memory_space<vmem>>, vector<16xi32>,
    %get3A_94 = arith.constant 48 : index
    %get3A_95 = tpu.vector_load %arg6[%get3A_94] {strides = array<i32>} : memref<64xi32, #tpu.memory_space<vmem>>, vector<16xi32>,
    %add3A_96 = arith.constant 48 : i32
    %add3A_97 = arith.addi %mul3A_0, %add3A_96 : i32
    %iota3A_98 = tpu.iota {dimensions = array<i32: 0>} : vector<16xi32>
    %add3A_99 = vector.broadcast %add3A_97 : i32 to vector<16xi32>
    %add3A_100 = arith.addi %add3A_99, %iota3A_98 : vector<16xi32>
    %shift_right_logical3A_101 = arith.constant 3 : i32
    %shift_right_logical3A_102 = vector.broadcast %shift_right_logical3A_101 : i32 to vector<16xi32>
    %shift_right_logical3A_103 = arith.shrui %get3A_95, %shift_right_logical3A_102 : vector<16xi32>
    %mul3A_104 = arith.constant 8192 : i32
    %mul3A_105 = vector.broadcast %mul3A_104 : i32 to vector<16xi32>
    %mul3A_106 = arith.muli %shift_right_logical3A_103, %mul3A_105 : vector<16xi32>
    %shift_right_logical3A_107 = arith.constant 7 : i32
    %shift_right_logical3A_108 = vector.broadcast %shift_right_logical3A_107 : i32 to vector<16xi32>
    %shift_right_logical3A_109 = arith.shrui %add3A_100, %shift_right_logical3A_108 : vector<16xi32>
    %mul3A_110 = arith.constant 1024 : i32
    %mul3A_111 = vector.broadcast %mul3A_110 : i32 to vector<16xi32>
    %mul3A_112 = arith.muli %shift_right_logical3A_109, %mul3A_111 : vector<16xi32>
    %add3A_113 = arith.addi %mul3A_106, %mul3A_112 : vector<16xi32>
    %and3A_114 = arith.constant 7 : i32
    %and3A_115 = vector.broadcast %and3A_114 : i32 to vector<16xi32>
    %and3A_116 = arith.andi %get3A_95, %and3A_115 : vector<16xi32>
    %mul3A_117 = arith.constant 128 : i32
    %mul3A_118 = vector.broadcast %mul3A_117 : i32 to vector<16xi32>
    %mul3A_119 = arith.muli %and3A_116, %mul3A_118 : vector<16xi32>
    %add3A_120 = arith.addi %add3A_113, %mul3A_119 : vector<16xi32>
    %and3A_121 = arith.constant 127 : i32
    %and3A_122 = vector.broadcast %and3A_121 : i32 to vector<16xi32>
    %and3A_123 = arith.andi %add3A_100, %and3A_122 : vector<16xi32>
    %add3A_124 = arith.addi %add3A_120, %and3A_123 : vector<16xi32>
    %swap3A_125 = arith.constant 48 : index
    %swap3A_126 = tpu.vector_load %arg7[%swap3A_125] {strides = array<i32>} : memref<64xi32, #tpu.memory_space<vmem>>, vector<16xi32>,
    tpu.vector_store %arg7[%swap3A_125], %add3A_124 {strides = array<i32>} : memref<64xi32, #tpu.memory_space<vmem>>, vector<16xi32>,
    %dma_start3A = arith.constant 0 : i32
    %dma_start3A_127 = tpu.memref_slice %arg2[%dma_start3A] : memref<102400000xf32, #tpu.memory_space<hbm>> -> memref<102400000xf32, #tpu.memory_space<hbm>>
    tpu.enqueue_indirect_dma source(%dma_start3A_127 : memref<102400000xf32, #tpu.memory_space<hbm>>) target(%arg8 : memref<64xf32, #tpu.memory_space<vmem>>) offsets(%arg7 : memref<64xi32, #tpu.memory_space<vmem>>) semaphore(%arg11 : memref<!tpu.dma_semaphore, #tpu.memory_space<semaphore_mem>>)
    %dma_wait3A = arith.constant 0 : i32
    %dma_wait3A_128 = tpu.memref_slice %arg2[%dma_wait3A] : memref<102400000xf32, #tpu.memory_space<hbm>> -> memref<102400000xf32, #tpu.memory_space<hbm>>
    tpu.wait_indirect_dma semaphore(%arg11 : memref<!tpu.dma_semaphore, #tpu.memory_space<semaphore_mem>>) src(%dma_wait3A_128 : memref<102400000xf32, #tpu.memory_space<hbm>>) dst(%arg8 : memref<64xf32, #tpu.memory_space<vmem>>)
    %get3A_129 = arith.constant 0 : index
    %get3A_130 = tpu.vector_load %arg8[%get3A_129] {strides = array<i32>} : memref<64xf32, #tpu.memory_space<vmem>>, vector<16xf32>,
    %bitcast3A = vector.bitcast %get3A_130 : vector<16xf32> to vector<16xi32>
    %shift_right_logical3A_131 = arith.constant 23 : i32
    %shift_right_logical3A_132 = vector.broadcast %shift_right_logical3A_131 : i32 to vector<16xi32>
    %shift_right_logical3A_133 = arith.shrui %bitcast3A, %shift_right_logical3A_132 : vector<16xi32>
    %sub3A = arith.constant 127 : i32
    %sub3A_134 = vector.broadcast %sub3A : i32 to vector<16xi32>
    %sub3A_135 = arith.subi %shift_right_logical3A_133, %sub3A_134 : vector<16xi32>
    %and3A_136 = arith.constant 8388607 : i32
    %and3A_137 = vector.broadcast %and3A_136 : i32 to vector<16xi32>
    %and3A_138 = arith.andi %bitcast3A, %and3A_137 : vector<16xi32>
    %or3A = arith.constant 1065353216 : i32
    %or3A_139 = vector.broadcast %or3A : i32 to vector<16xi32>
    %or3A_140 = arith.ori %and3A_138, %or3A_139 : vector<16xi32>
    %bitcast3A_141 = vector.bitcast %or3A_140 : vector<16xi32> to vector<16xf32>
    %ge3A = arith.constant 1068827891 : i32
    %ge3A_142 = vector.broadcast %ge3A : i32 to vector<16xi32>
    %ge3A_143 = arith.cmpi sge, %or3A_140, %ge3A_142 : vector<16xi32>
    %mul3A_144 = arith.constant 5.000000e-01 : f32
    %mul3A_145 = vector.broadcast %mul3A_144 : f32 to vector<16xf32>
    %mul3A_146 = arith.mulf %bitcast3A_141, %mul3A_145 : vector<16xf32>
    %select_n3A = arith.select %ge3A_143, %mul3A_146, %bitcast3A_141 : vector<16xi1>, vector<16xf32>
    %convert_element_type3A = arith.extui %ge3A_143 : vector<16xi1> to vector<16xi32>
    %add3A_147 = arith.addi %sub3A_135, %convert_element_type3A : vector<16xi32>
    %convert_element_type3A_148 = arith.sitofp %add3A_147 : vector<16xi32> to vector<16xf32>
    %sub3A_149 = arith.constant 1.000000e+00 : f32
    %sub3A_150 = vector.broadcast %sub3A_149 : f32 to vector<16xf32>
    %sub3A_151 = arith.subf %select_n3A, %sub3A_150 : vector<16xf32>
    %mul3A_152 = arith.mulf %sub3A_151, %sub3A_151 : vector<16xf32>
    %mul3A_153 = arith.constant 0.0703768358 : f32
    %mul3A_154 = vector.broadcast %mul3A_153 : f32 to vector<16xf32>
    %mul3A_155 = arith.mulf %mul3A_154, %sub3A_151 : vector<16xf32>
    %add3A_156 = arith.constant -0.115146101 : f32
    %add3A_157 = vector.broadcast %add3A_156 : f32 to vector<16xf32>
    %add3A_158 = arith.addf %mul3A_155, %add3A_157 : vector<16xf32>
    %mul3A_159 = arith.mulf %add3A_158, %sub3A_151 : vector<16xf32>
    %add3A_160 = arith.constant 0.116769984 : f32
    %add3A_161 = vector.broadcast %add3A_160 : f32 to vector<16xf32>
    %add3A_162 = arith.addf %mul3A_159, %add3A_161 : vector<16xf32>
    %mul3A_163 = arith.mulf %add3A_162, %sub3A_151 : vector<16xf32>
    %add3A_164 = arith.constant -0.12420141 : f32
    %add3A_165 = vector.broadcast %add3A_164 : f32 to vector<16xf32>
    %add3A_166 = arith.addf %mul3A_163, %add3A_165 : vector<16xf32>
    %mul3A_167 = arith.mulf %add3A_166, %sub3A_151 : vector<16xf32>
    %add3A_168 = arith.constant 0.142493233 : f32
    %add3A_169 = vector.broadcast %add3A_168 : f32 to vector<16xf32>
    %add3A_170 = arith.addf %mul3A_167, %add3A_169 : vector<16xf32>
    %mul3A_171 = arith.mulf %add3A_170, %sub3A_151 : vector<16xf32>
    %add3A_172 = arith.constant -0.166680574 : f32
    %add3A_173 = vector.broadcast %add3A_172 : f32 to vector<16xf32>
    %add3A_174 = arith.addf %mul3A_171, %add3A_173 : vector<16xf32>
    %mul3A_175 = arith.mulf %add3A_174, %sub3A_151 : vector<16xf32>
    %add3A_176 = arith.constant 0.200007141 : f32
    %add3A_177 = vector.broadcast %add3A_176 : f32 to vector<16xf32>
    %add3A_178 = arith.addf %mul3A_175, %add3A_177 : vector<16xf32>
    %mul3A_179 = arith.mulf %add3A_178, %sub3A_151 : vector<16xf32>
    %add3A_180 = arith.constant -0.24999994 : f32
    %add3A_181 = vector.broadcast %add3A_180 : f32 to vector<16xf32>
    %add3A_182 = arith.addf %mul3A_179, %add3A_181 : vector<16xf32>
    %mul3A_183 = arith.mulf %add3A_182, %sub3A_151 : vector<16xf32>
    %add3A_184 = arith.constant 0.333333313 : f32
    %add3A_185 = vector.broadcast %add3A_184 : f32 to vector<16xf32>
    %add3A_186 = arith.addf %mul3A_183, %add3A_185 : vector<16xf32>
    %mul3A_187 = arith.mulf %sub3A_151, %mul3A_152 : vector<16xf32>
    %mul3A_188 = arith.mulf %mul3A_187, %add3A_186 : vector<16xf32>
    %mul3A_189 = arith.constant -2.12194442E-4 : f32
    %mul3A_190 = vector.broadcast %mul3A_189 : f32 to vector<16xf32>
    %mul3A_191 = arith.mulf %convert_element_type3A_148, %mul3A_190 : vector<16xf32>
    %add3A_192 = arith.addf %mul3A_188, %mul3A_191 : vector<16xf32>
    %mul3A_193 = arith.constant 5.000000e-01 : f32
    %mul3A_194 = vector.broadcast %mul3A_193 : f32 to vector<16xf32>
    %mul3A_195 = arith.mulf %mul3A_194, %mul3A_152 : vector<16xf32>
    %sub3A_196 = arith.subf %add3A_192, %mul3A_195 : vector<16xf32>
    %add3A_197 = arith.addf %sub3A_151, %sub3A_196 : vector<16xf32>
    %mul3A_198 = arith.constant 0.693359375 : f32
    %mul3A_199 = vector.broadcast %mul3A_198 : f32 to vector<16xf32>
    %mul3A_200 = arith.mulf %convert_element_type3A_148, %mul3A_199 : vector<16xf32>
    %add3A_201 = arith.addf %add3A_197, %mul3A_200 : vector<16xf32>
    %get3A_202 = arith.constant 16 : index
    %get3A_203 = tpu.vector_load %arg8[%get3A_202] {strides = array<i32>} : memref<64xf32, #tpu.memory_space<vmem>>, vector<16xf32>,
    %bitcast3A_204 = vector.bitcast %get3A_203 : vector<16xf32> to vector<16xi32>
    %shift_right_logical3A_205 = arith.constant 23 : i32
    %shift_right_logical3A_206 = vector.broadcast %shift_right_logical3A_205 : i32 to vector<16xi32>
    %shift_right_logical3A_207 = arith.shrui %bitcast3A_204, %shift_right_logical3A_206 : vector<16xi32>
    %sub3A_208 = arith.constant 127 : i32
    %sub3A_209 = vector.broadcast %sub3A_208 : i32 to vector<16xi32>
    %sub3A_210 = arith.subi %shift_right_logical3A_207, %sub3A_209 : vector<16xi32>
    %and3A_211 = arith.constant 8388607 : i32
    %and3A_212 = vector.broadcast %and3A_211 : i32 to vector<16xi32>
    %and3A_213 = arith.andi %bitcast3A_204, %and3A_212 : vector<16xi32>
    %or3A_214 = arith.constant 1065353216 : i32
    %or3A_215 = vector.broadcast %or3A_214 : i32 to vector<16xi32>
    %or3A_216 = arith.ori %and3A_213, %or3A_215 : vector<16xi32>
    %bitcast3A_217 = vector.bitcast %or3A_216 : vector<16xi32> to vector<16xf32>
    %ge3A_218 = arith.constant 1068827891 : i32
    %ge3A_219 = vector.broadcast %ge3A_218 : i32 to vector<16xi32>
    %ge3A_220 = arith.cmpi sge, %or3A_216, %ge3A_219 : vector<16xi32>
    %mul3A_221 = arith.constant 5.000000e-01 : f32
    %mul3A_222 = vector.broadcast %mul3A_221 : f32 to vector<16xf32>
    %mul3A_223 = arith.mulf %bitcast3A_217, %mul3A_222 : vector<16xf32>
    %select_n3A_224 = arith.select %ge3A_220, %mul3A_223, %bitcast3A_217 : vector<16xi1>, vector<16xf32>
    %convert_element_type3A_225 = arith.extui %ge3A_220 : vector<16xi1> to vector<16xi32>
    %add3A_226 = arith.addi %sub3A_210, %convert_element_type3A_225 : vector<16xi32>
    %convert_element_type3A_227 = arith.sitofp %add3A_226 : vector<16xi32> to vector<16xf32>
    %sub3A_228 = arith.constant 1.000000e+00 : f32
    %sub3A_229 = vector.broadcast %sub3A_228 : f32 to vector<16xf32>
    %sub3A_230 = arith.subf %select_n3A_224, %sub3A_229 : vector<16xf32>
    %mul3A_231 = arith.mulf %sub3A_230, %sub3A_230 : vector<16xf32>
    %mul3A_232 = arith.constant 0.0703768358 : f32
    %mul3A_233 = vector.broadcast %mul3A_232 : f32 to vector<16xf32>
    %mul3A_234 = arith.mulf %mul3A_233, %sub3A_230 : vector<16xf32>
    %add3A_235 = arith.constant -0.115146101 : f32
    %add3A_236 = vector.broadcast %add3A_235 : f32 to vector<16xf32>
    %add3A_237 = arith.addf %mul3A_234, %add3A_236 : vector<16xf32>
    %mul3A_238 = arith.mulf %add3A_237, %sub3A_230 : vector<16xf32>
    %add3A_239 = arith.constant 0.116769984 : f32
    %add3A_240 = vector.broadcast %add3A_239 : f32 to vector<16xf32>
    %add3A_241 = arith.addf %mul3A_238, %add3A_240 : vector<16xf32>
    %mul3A_242 = arith.mulf %add3A_241, %sub3A_230 : vector<16xf32>
    %add3A_243 = arith.constant -0.12420141 : f32
    %add3A_244 = vector.broadcast %add3A_243 : f32 to vector<16xf32>
    %add3A_245 = arith.addf %mul3A_242, %add3A_244 : vector<16xf32>
    %mul3A_246 = arith.mulf %add3A_245, %sub3A_230 : vector<16xf32>
    %add3A_247 = arith.constant 0.142493233 : f32
    %add3A_248 = vector.broadcast %add3A_247 : f32 to vector<16xf32>
    %add3A_249 = arith.addf %mul3A_246, %add3A_248 : vector<16xf32>
    %mul3A_250 = arith.mulf %add3A_249, %sub3A_230 : vector<16xf32>
    %add3A_251 = arith.constant -0.166680574 : f32
    %add3A_252 = vector.broadcast %add3A_251 : f32 to vector<16xf32>
    %add3A_253 = arith.addf %mul3A_250, %add3A_252 : vector<16xf32>
    %mul3A_254 = arith.mulf %add3A_253, %sub3A_230 : vector<16xf32>
    %add3A_255 = arith.constant 0.200007141 : f32
    %add3A_256 = vector.broadcast %add3A_255 : f32 to vector<16xf32>
    %add3A_257 = arith.addf %mul3A_254, %add3A_256 : vector<16xf32>
    %mul3A_258 = arith.mulf %add3A_257, %sub3A_230 : vector<16xf32>
    %add3A_259 = arith.constant -0.24999994 : f32
    %add3A_260 = vector.broadcast %add3A_259 : f32 to vector<16xf32>
    %add3A_261 = arith.addf %mul3A_258, %add3A_260 : vector<16xf32>
    %mul3A_262 = arith.mulf %add3A_261, %sub3A_230 : vector<16xf32>
    %add3A_263 = arith.constant 0.333333313 : f32
    %add3A_264 = vector.broadcast %add3A_263 : f32 to vector<16xf32>
    %add3A_265 = arith.addf %mul3A_262, %add3A_264 : vector<16xf32>
    %mul3A_266 = arith.mulf %sub3A_230, %mul3A_231 : vector<16xf32>
    %mul3A_267 = arith.mulf %mul3A_266, %add3A_265 : vector<16xf32>
    %mul3A_268 = arith.constant -2.12194442E-4 : f32
    %mul3A_269 = vector.broadcast %mul3A_268 : f32 to vector<16xf32>
    %mul3A_270 = arith.mulf %convert_element_type3A_227, %mul3A_269 : vector<16xf32>
    %add3A_271 = arith.addf %mul3A_267, %mul3A_270 : vector<16xf32>
    %mul3A_272 = arith.constant 5.000000e-01 : f32
    %mul3A_273 = vector.broadcast %mul3A_272 : f32 to vector<16xf32>
    %mul3A_274 = arith.mulf %mul3A_273, %mul3A_231 : vector<16xf32>
    %sub3A_275 = arith.subf %add3A_271, %mul3A_274 : vector<16xf32>
    %add3A_276 = arith.addf %sub3A_230, %sub3A_275 : vector<16xf32>
    %mul3A_277 = arith.constant 0.693359375 : f32
    %mul3A_278 = vector.broadcast %mul3A_277 : f32 to vector<16xf32>
    %mul3A_279 = arith.mulf %convert_element_type3A_227, %mul3A_278 : vector<16xf32>
    %add3A_280 = arith.addf %add3A_276, %mul3A_279 : vector<16xf32>
    %add3A_281 = arith.addf %add3A_201, %add3A_280 : vector<16xf32>
    %get3A_282 = arith.constant 32 : index
    %get3A_283 = tpu.vector_load %arg8[%get3A_282] {strides = array<i32>} : memref<64xf32, #tpu.memory_space<vmem>>, vector<16xf32>,
    %bitcast3A_284 = vector.bitcast %get3A_283 : vector<16xf32> to vector<16xi32>
    %shift_right_logical3A_285 = arith.constant 23 : i32
    %shift_right_logical3A_286 = vector.broadcast %shift_right_logical3A_285 : i32 to vector<16xi32>
    %shift_right_logical3A_287 = arith.shrui %bitcast3A_284, %shift_right_logical3A_286 : vector<16xi32>
    %sub3A_288 = arith.constant 127 : i32
    %sub3A_289 = vector.broadcast %sub3A_288 : i32 to vector<16xi32>
    %sub3A_290 = arith.subi %shift_right_logical3A_287, %sub3A_289 : vector<16xi32>
    %and3A_291 = arith.constant 8388607 : i32
    %and3A_292 = vector.broadcast %and3A_291 : i32 to vector<16xi32>
    %and3A_293 = arith.andi %bitcast3A_284, %and3A_292 : vector<16xi32>
    %or3A_294 = arith.constant 1065353216 : i32
    %or3A_295 = vector.broadcast %or3A_294 : i32 to vector<16xi32>
    %or3A_296 = arith.ori %and3A_293, %or3A_295 : vector<16xi32>
    %bitcast3A_297 = vector.bitcast %or3A_296 : vector<16xi32> to vector<16xf32>
    %ge3A_298 = arith.constant 1068827891 : i32
    %ge3A_299 = vector.broadcast %ge3A_298 : i32 to vector<16xi32>
    %ge3A_300 = arith.cmpi sge, %or3A_296, %ge3A_299 : vector<16xi32>
    %mul3A_301 = arith.constant 5.000000e-01 : f32
    %mul3A_302 = vector.broadcast %mul3A_301 : f32 to vector<16xf32>
    %mul3A_303 = arith.mulf %bitcast3A_297, %mul3A_302 : vector<16xf32>
    %select_n3A_304 = arith.select %ge3A_300, %mul3A_303, %bitcast3A_297 : vector<16xi1>, vector<16xf32>
    %convert_element_type3A_305 = arith.extui %ge3A_300 : vector<16xi1> to vector<16xi32>
    %add3A_306 = arith.addi %sub3A_290, %convert_element_type3A_305 : vector<16xi32>
    %convert_element_type3A_307 = arith.sitofp %add3A_306 : vector<16xi32> to vector<16xf32>
    %sub3A_308 = arith.constant 1.000000e+00 : f32
    %sub3A_309 = vector.broadcast %sub3A_308 : f32 to vector<16xf32>
    %sub3A_310 = arith.subf %select_n3A_304, %sub3A_309 : vector<16xf32>
    %mul3A_311 = arith.mulf %sub3A_310, %sub3A_310 : vector<16xf32>
    %mul3A_312 = arith.constant 0.0703768358 : f32
    %mul3A_313 = vector.broadcast %mul3A_312 : f32 to vector<16xf32>
    %mul3A_314 = arith.mulf %mul3A_313, %sub3A_310 : vector<16xf32>
    %add3A_315 = arith.constant -0.115146101 : f32
    %add3A_316 = vector.broadcast %add3A_315 : f32 to vector<16xf32>
    %add3A_317 = arith.addf %mul3A_314, %add3A_316 : vector<16xf32>
    %mul3A_318 = arith.mulf %add3A_317, %sub3A_310 : vector<16xf32>
    %add3A_319 = arith.constant 0.116769984 : f32
    %add3A_320 = vector.broadcast %add3A_319 : f32 to vector<16xf32>
    %add3A_321 = arith.addf %mul3A_318, %add3A_320 : vector<16xf32>
    %mul3A_322 = arith.mulf %add3A_321, %sub3A_310 : vector<16xf32>
    %add3A_323 = arith.constant -0.12420141 : f32
    %add3A_324 = vector.broadcast %add3A_323 : f32 to vector<16xf32>
    %add3A_325 = arith.addf %mul3A_322, %add3A_324 : vector<16xf32>
    %mul3A_326 = arith.mulf %add3A_325, %sub3A_310 : vector<16xf32>
    %add3A_327 = arith.constant 0.142493233 : f32
    %add3A_328 = vector.broadcast %add3A_327 : f32 to vector<16xf32>
    %add3A_329 = arith.addf %mul3A_326, %add3A_328 : vector<16xf32>
    %mul3A_330 = arith.mulf %add3A_329, %sub3A_310 : vector<16xf32>
    %add3A_331 = arith.constant -0.166680574 : f32
    %add3A_332 = vector.broadcast %add3A_331 : f32 to vector<16xf32>
    %add3A_333 = arith.addf %mul3A_330, %add3A_332 : vector<16xf32>
    %mul3A_334 = arith.mulf %add3A_333, %sub3A_310 : vector<16xf32>
    %add3A_335 = arith.constant 0.200007141 : f32
    %add3A_336 = vector.broadcast %add3A_335 : f32 to vector<16xf32>
    %add3A_337 = arith.addf %mul3A_334, %add3A_336 : vector<16xf32>
    %mul3A_338 = arith.mulf %add3A_337, %sub3A_310 : vector<16xf32>
    %add3A_339 = arith.constant -0.24999994 : f32
    %add3A_340 = vector.broadcast %add3A_339 : f32 to vector<16xf32>
    %add3A_341 = arith.addf %mul3A_338, %add3A_340 : vector<16xf32>
    %mul3A_342 = arith.mulf %add3A_341, %sub3A_310 : vector<16xf32>
    %add3A_343 = arith.constant 0.333333313 : f32
    %add3A_344 = vector.broadcast %add3A_343 : f32 to vector<16xf32>
    %add3A_345 = arith.addf %mul3A_342, %add3A_344 : vector<16xf32>
    %mul3A_346 = arith.mulf %sub3A_310, %mul3A_311 : vector<16xf32>
    %mul3A_347 = arith.mulf %mul3A_346, %add3A_345 : vector<16xf32>
    %mul3A_348 = arith.constant -2.12194442E-4 : f32
    %mul3A_349 = vector.broadcast %mul3A_348 : f32 to vector<16xf32>
    %mul3A_350 = arith.mulf %convert_element_type3A_307, %mul3A_349 : vector<16xf32>
    %add3A_351 = arith.addf %mul3A_347, %mul3A_350 : vector<16xf32>
    %mul3A_352 = arith.constant 5.000000e-01 : f32
    %mul3A_353 = vector.broadcast %mul3A_352 : f32 to vector<16xf32>
    %mul3A_354 = arith.mulf %mul3A_353, %mul3A_311 : vector<16xf32>
    %sub3A_355 = arith.subf %add3A_351, %mul3A_354 : vector<16xf32>
    %add3A_356 = arith.addf %sub3A_310, %sub3A_355 : vector<16xf32>
    %mul3A_357 = arith.constant 0.693359375 : f32
    %mul3A_358 = vector.broadcast %mul3A_357 : f32 to vector<16xf32>
    %mul3A_359 = arith.mulf %convert_element_type3A_307, %mul3A_358 : vector<16xf32>
    %add3A_360 = arith.addf %add3A_356, %mul3A_359 : vector<16xf32>
    %add3A_361 = arith.addf %add3A_281, %add3A_360 : vector<16xf32>
    %get3A_362 = arith.constant 48 : index
    %get3A_363 = tpu.vector_load %arg8[%get3A_362] {strides = array<i32>} : memref<64xf32, #tpu.memory_space<vmem>>, vector<16xf32>,
    %bitcast3A_364 = vector.bitcast %get3A_363 : vector<16xf32> to vector<16xi32>
    %shift_right_logical3A_365 = arith.constant 23 : i32
    %shift_right_logical3A_366 = vector.broadcast %shift_right_logical3A_365 : i32 to vector<16xi32>
    %shift_right_logical3A_367 = arith.shrui %bitcast3A_364, %shift_right_logical3A_366 : vector<16xi32>
    %sub3A_368 = arith.constant 127 : i32
    %sub3A_369 = vector.broadcast %sub3A_368 : i32 to vector<16xi32>
    %sub3A_370 = arith.subi %shift_right_logical3A_367, %sub3A_369 : vector<16xi32>
    %and3A_371 = arith.constant 8388607 : i32
    %and3A_372 = vector.broadcast %and3A_371 : i32 to vector<16xi32>
    %and3A_373 = arith.andi %bitcast3A_364, %and3A_372 : vector<16xi32>
    %or3A_374 = arith.constant 1065353216 : i32
    %or3A_375 = vector.broadcast %or3A_374 : i32 to vector<16xi32>
    %or3A_376 = arith.ori %and3A_373, %or3A_375 : vector<16xi32>
    %bitcast3A_377 = vector.bitcast %or3A_376 : vector<16xi32> to vector<16xf32>
    %ge3A_378 = arith.constant 1068827891 : i32
    %ge3A_379 = vector.broadcast %ge3A_378 : i32 to vector<16xi32>
    %ge3A_380 = arith.cmpi sge, %or3A_376, %ge3A_379 : vector<16xi32>
    %mul3A_381 = arith.constant 5.000000e-01 : f32
    %mul3A_382 = vector.broadcast %mul3A_381 : f32 to vector<16xf32>
    %mul3A_383 = arith.mulf %bitcast3A_377, %mul3A_382 : vector<16xf32>
    %select_n3A_384 = arith.select %ge3A_380, %mul3A_383, %bitcast3A_377 : vector<16xi1>, vector<16xf32>
    %convert_element_type3A_385 = arith.extui %ge3A_380 : vector<16xi1> to vector<16xi32>
    %add3A_386 = arith.addi %sub3A_370, %convert_element_type3A_385 : vector<16xi32>
    %convert_element_type3A_387 = arith.sitofp %add3A_386 : vector<16xi32> to vector<16xf32>
    %sub3A_388 = arith.constant 1.000000e+00 : f32
    %sub3A_389 = vector.broadcast %sub3A_388 : f32 to vector<16xf32>
    %sub3A_390 = arith.subf %select_n3A_384, %sub3A_389 : vector<16xf32>
    %mul3A_391 = arith.mulf %sub3A_390, %sub3A_390 : vector<16xf32>
    %mul3A_392 = arith.constant 0.0703768358 : f32
    %mul3A_393 = vector.broadcast %mul3A_392 : f32 to vector<16xf32>
    %mul3A_394 = arith.mulf %mul3A_393, %sub3A_390 : vector<16xf32>
    %add3A_395 = arith.constant -0.115146101 : f32
    %add3A_396 = vector.broadcast %add3A_395 : f32 to vector<16xf32>
    %add3A_397 = arith.addf %mul3A_394, %add3A_396 : vector<16xf32>
    %mul3A_398 = arith.mulf %add3A_397, %sub3A_390 : vector<16xf32>
    %add3A_399 = arith.constant 0.116769984 : f32
    %add3A_400 = vector.broadcast %add3A_399 : f32 to vector<16xf32>
    %add3A_401 = arith.addf %mul3A_398, %add3A_400 : vector<16xf32>
    %mul3A_402 = arith.mulf %add3A_401, %sub3A_390 : vector<16xf32>
    %add3A_403 = arith.constant -0.12420141 : f32
    %add3A_404 = vector.broadcast %add3A_403 : f32 to vector<16xf32>
    %add3A_405 = arith.addf %mul3A_402, %add3A_404 : vector<16xf32>
    %mul3A_406 = arith.mulf %add3A_405, %sub3A_390 : vector<16xf32>
    %add3A_407 = arith.constant 0.142493233 : f32
    %add3A_408 = vector.broadcast %add3A_407 : f32 to vector<16xf32>
    %add3A_409 = arith.addf %mul3A_406, %add3A_408 : vector<16xf32>
    %mul3A_410 = arith.mulf %add3A_409, %sub3A_390 : vector<16xf32>
    %add3A_411 = arith.constant -0.166680574 : f32
    %add3A_412 = vector.broadcast %add3A_411 : f32 to vector<16xf32>
    %add3A_413 = arith.addf %mul3A_410, %add3A_412 : vector<16xf32>
    %mul3A_414 = arith.mulf %add3A_413, %sub3A_390 : vector<16xf32>
    %add3A_415 = arith.constant 0.200007141 : f32
    %add3A_416 = vector.broadcast %add3A_415 : f32 to vector<16xf32>
    %add3A_417 = arith.addf %mul3A_414, %add3A_416 : vector<16xf32>
    %mul3A_418 = arith.mulf %add3A_417, %sub3A_390 : vector<16xf32>
    %add3A_419 = arith.constant -0.24999994 : f32
    %add3A_420 = vector.broadcast %add3A_419 : f32 to vector<16xf32>
    %add3A_421 = arith.addf %mul3A_418, %add3A_420 : vector<16xf32>
    %mul3A_422 = arith.mulf %add3A_421, %sub3A_390 : vector<16xf32>
    %add3A_423 = arith.constant 0.333333313 : f32
    %add3A_424 = vector.broadcast %add3A_423 : f32 to vector<16xf32>
    %add3A_425 = arith.addf %mul3A_422, %add3A_424 : vector<16xf32>
    %mul3A_426 = arith.mulf %sub3A_390, %mul3A_391 : vector<16xf32>
    %mul3A_427 = arith.mulf %mul3A_426, %add3A_425 : vector<16xf32>
    %mul3A_428 = arith.constant -2.12194442E-4 : f32
    %mul3A_429 = vector.broadcast %mul3A_428 : f32 to vector<16xf32>
    %mul3A_430 = arith.mulf %convert_element_type3A_387, %mul3A_429 : vector<16xf32>
    %add3A_431 = arith.addf %mul3A_427, %mul3A_430 : vector<16xf32>
    %mul3A_432 = arith.constant 5.000000e-01 : f32
    %mul3A_433 = vector.broadcast %mul3A_432 : f32 to vector<16xf32>
    %mul3A_434 = arith.mulf %mul3A_433, %mul3A_391 : vector<16xf32>
    %sub3A_435 = arith.subf %add3A_431, %mul3A_434 : vector<16xf32>
    %add3A_436 = arith.addf %sub3A_390, %sub3A_435 : vector<16xf32>
    %mul3A_437 = arith.constant 0.693359375 : f32
    %mul3A_438 = vector.broadcast %mul3A_437 : f32 to vector<16xf32>
    %mul3A_439 = arith.mulf %convert_element_type3A_387, %mul3A_438 : vector<16xf32>
    %add3A_440 = arith.addf %add3A_436, %mul3A_439 : vector<16xf32>
    %add3A_441 = arith.addf %add3A_361, %add3A_440 : vector<16xf32>
    %swap3A_442 = arith.constant 0 : index
    %swap3A_443 = tpu.vector_load %arg9[%swap3A_442] {strides = array<i32>} : memref<16xf32, #tpu.memory_space<vmem>>, vector<16xf32>,
    tpu.vector_store %arg9[%swap3A_442], %add3A_441 {strides = array<i32>} : memref<16xf32, #tpu.memory_space<vmem>>, vector<16xf32>,
    %eq3A = arith.constant 0 : i32
    %eq3A_444 = arith.cmpi eq, %arg0, %eq3A : i32
    %convert_element_type3A_445 = arith.extui %eq3A_444 : i1 to i32
    %cond3A = arith.constant 0 : i32
    %cond3A_446 = arith.cmpi ne, %convert_element_type3A_445, %cond3A : i32
    scf.if %cond3A_446 {
      "tpu.region"() ({
        %run_scoped3A = tpu.sem_alloc : memref<!tpu.dma_semaphore, #tpu.memory_space<semaphore_mem>>
        %dma_start3A_455 = arith.constant 0 : i32
        %dma_start3A_456 = tpu.memref_slice %arg4[%arg1, %dma_start3A_455] : memref<16x16xf32, #tpu.memory_space<hbm>> -> memref<1x16xf32, #tpu.memory_space<hbm>>
        %dma_start3A_457 = tpu.memref_squeeze %dma_start3A_456 : memref<1x16xf32, #tpu.memory_space<hbm>> -> memref<16xf32, #tpu.memory_space<hbm>>
        %dma_start3A_458 = arith.constant 0 : i32
        %dma_start3A_459 = tpu.memref_slice %arg4[%arg1, %dma_start3A_458] : memref<16x16xf32, #tpu.memory_space<hbm>> -> memref<1x16xf32, #tpu.memory_space<hbm>>
        %dma_start3A_460 = tpu.memref_squeeze %dma_start3A_459 : memref<1x16xf32, #tpu.memory_space<hbm>> -> memref<16xf32, #tpu.memory_space<hbm>>
        tpu.enqueue_dma source(%arg9 : memref<16xf32, #tpu.memory_space<vmem>>) target(%dma_start3A_460 : memref<16xf32, #tpu.memory_space<hbm>>) target_semaphore(%run_scoped3A : memref<!tpu.dma_semaphore, #tpu.memory_space<semaphore_mem>>)
        %dma_wait3A_461 = arith.constant 0 : i32
        %dma_wait3A_462 = tpu.memref_slice %arg4[%arg1, %dma_wait3A_461] : memref<16x16xf32, #tpu.memory_space<hbm>> -> memref<1x16xf32, #tpu.memory_space<hbm>>
        %dma_wait3A_463 = tpu.memref_squeeze %dma_wait3A_462 : memref<1x16xf32, #tpu.memory_space<hbm>> -> memref<16xf32, #tpu.memory_space<hbm>>
        %dma_wait3A_464 = arith.constant 0 : i32
        %dma_wait3A_465 = tpu.memref_slice %arg4[%arg1, %dma_wait3A_464] : memref<16x16xf32, #tpu.memory_space<hbm>> -> memref<1x16xf32, #tpu.memory_space<hbm>>
        %dma_wait3A_466 = tpu.memref_squeeze %dma_wait3A_465 : memref<1x16xf32, #tpu.memory_space<hbm>> -> memref<16xf32, #tpu.memory_space<hbm>>
        tpu.wait_dma2 semaphore(%run_scoped3A : memref<!tpu.dma_semaphore, #tpu.memory_space<semaphore_mem>>) src(%arg9 : memref<16xf32, #tpu.memory_space<vmem>>) dst(%dma_wait3A_466 : memref<16xf32, #tpu.memory_space<hbm>>)
        tpu.yield
      }) : () -> ()
    } else {
    }
    %barrier3A = arith.constant 0 : index
    tpu.barrier barrier_id(%barrier3A)
    %eq3A_447 = arith.constant 0 : i32
    %eq3A_448 = arith.cmpi eq, %arg1, %eq3A_447 : i32
    %eq3A_449 = arith.constant 0 : i32
    %eq3A_450 = arith.cmpi eq, %arg0, %eq3A_449 : i32
    %and3A_451 = arith.andi %eq3A_448, %eq3A_450 : i1
    %convert_element_type3A_452 = arith.extui %and3A_451 : i1 to i32
    %cond3A_453 = arith.constant 0 : i32
    %cond3A_454 = arith.cmpi ne, %convert_element_type3A_452, %cond3A_453 : i32
    scf.if %cond3A_454 {
      "tpu.region"() ({
        %run_scoped3A = tpu.sem_alloc : memref<!tpu.dma_semaphore, #tpu.memory_space<semaphore_mem>>
        tpu.enqueue_dma source(%arg4 : memref<16x16xf32, #tpu.memory_space<hbm>>) target(%arg10 : memref<16x16xf32, #tpu.memory_space<vmem>>) target_semaphore(%run_scoped3A : memref<!tpu.dma_semaphore, #tpu.memory_space<semaphore_mem>>)
        tpu.wait_dma2 semaphore(%run_scoped3A : memref<!tpu.dma_semaphore, #tpu.memory_space<semaphore_mem>>) src(%arg4 : memref<16x16xf32, #tpu.memory_space<hbm>>) dst(%arg10 : memref<16x16xf32, #tpu.memory_space<vmem>>)
        tpu.yield
      }) : () -> ()
      %get3A_455 = arith.constant 0 : i32
      %get3A_456 = arith.index_cast %get3A_455 : i32 to index
      %get3A_457 = arith.constant 0 : index
      %get3A_458 = tpu.vector_load %arg10[%get3A_456, %get3A_457] {strides = array<i32>} : memref<16x16xf32, #tpu.memory_space<vmem>>, vector<16xf32>,
      %get3A_459 = arith.constant 1 : i32
      %get3A_460 = arith.index_cast %get3A_459 : i32 to index
      %get3A_461 = arith.constant 0 : index
      %get3A_462 = tpu.vector_load %arg10[%get3A_460, %get3A_461] {strides = array<i32>} : memref<16x16xf32, #tpu.memory_space<vmem>>, vector<16xf32>,
      %add3A_463 = arith.addf %get3A_458, %get3A_462 : vector<16xf32>
      %get3A_464 = arith.constant 2 : i32
      %get3A_465 = arith.index_cast %get3A_464 : i32 to index
      %get3A_466 = arith.constant 0 : index
      %get3A_467 = tpu.vector_load %arg10[%get3A_465, %get3A_466] {strides = array<i32>} : memref<16x16xf32, #tpu.memory_space<vmem>>, vector<16xf32>,
      %add3A_468 = arith.addf %add3A_463, %get3A_467 : vector<16xf32>
      %get3A_469 = arith.constant 3 : i32
      %get3A_470 = arith.index_cast %get3A_469 : i32 to index
      %get3A_471 = arith.constant 0 : index
      %get3A_472 = tpu.vector_load %arg10[%get3A_470, %get3A_471] {strides = array<i32>} : memref<16x16xf32, #tpu.memory_space<vmem>>, vector<16xf32>,
      %add3A_473 = arith.addf %add3A_468, %get3A_472 : vector<16xf32>
      %get3A_474 = arith.constant 4 : i32
      %get3A_475 = arith.index_cast %get3A_474 : i32 to index
      %get3A_476 = arith.constant 0 : index
      %get3A_477 = tpu.vector_load %arg10[%get3A_475, %get3A_476] {strides = array<i32>} : memref<16x16xf32, #tpu.memory_space<vmem>>, vector<16xf32>,
      %add3A_478 = arith.addf %add3A_473, %get3A_477 : vector<16xf32>
      %get3A_479 = arith.constant 5 : i32
      %get3A_480 = arith.index_cast %get3A_479 : i32 to index
      %get3A_481 = arith.constant 0 : index
      %get3A_482 = tpu.vector_load %arg10[%get3A_480, %get3A_481] {strides = array<i32>} : memref<16x16xf32, #tpu.memory_space<vmem>>, vector<16xf32>,
      %add3A_483 = arith.addf %add3A_478, %get3A_482 : vector<16xf32>
      %get3A_484 = arith.constant 6 : i32
      %get3A_485 = arith.index_cast %get3A_484 : i32 to index
      %get3A_486 = arith.constant 0 : index
      %get3A_487 = tpu.vector_load %arg10[%get3A_485, %get3A_486] {strides = array<i32>} : memref<16x16xf32, #tpu.memory_space<vmem>>, vector<16xf32>,
      %add3A_488 = arith.addf %add3A_483, %get3A_487 : vector<16xf32>
      %get3A_489 = arith.constant 7 : i32
      %get3A_490 = arith.index_cast %get3A_489 : i32 to index
      %get3A_491 = arith.constant 0 : index
      %get3A_492 = tpu.vector_load %arg10[%get3A_490, %get3A_491] {strides = array<i32>} : memref<16x16xf32, #tpu.memory_space<vmem>>, vector<16xf32>,
      %add3A_493 = arith.addf %add3A_488, %get3A_492 : vector<16xf32>
      %get3A_494 = arith.constant 8 : i32
      %get3A_495 = arith.index_cast %get3A_494 : i32 to index
      %get3A_496 = arith.constant 0 : index
      %get3A_497 = tpu.vector_load %arg10[%get3A_495, %get3A_496] {strides = array<i32>} : memref<16x16xf32, #tpu.memory_space<vmem>>, vector<16xf32>,
      %add3A_498 = arith.addf %add3A_493, %get3A_497 : vector<16xf32>
      %get3A_499 = arith.constant 9 : i32
      %get3A_500 = arith.index_cast %get3A_499 : i32 to index
      %get3A_501 = arith.constant 0 : index
      %get3A_502 = tpu.vector_load %arg10[%get3A_500, %get3A_501] {strides = array<i32>} : memref<16x16xf32, #tpu.memory_space<vmem>>, vector<16xf32>,
      %add3A_503 = arith.addf %add3A_498, %get3A_502 : vector<16xf32>
      %get3A_504 = arith.constant 10 : i32
      %get3A_505 = arith.index_cast %get3A_504 : i32 to index
      %get3A_506 = arith.constant 0 : index
      %get3A_507 = tpu.vector_load %arg10[%get3A_505, %get3A_506] {strides = array<i32>} : memref<16x16xf32, #tpu.memory_space<vmem>>, vector<16xf32>,
      %add3A_508 = arith.addf %add3A_503, %get3A_507 : vector<16xf32>
      %get3A_509 = arith.constant 11 : i32
      %get3A_510 = arith.index_cast %get3A_509 : i32 to index
      %get3A_511 = arith.constant 0 : index
      %get3A_512 = tpu.vector_load %arg10[%get3A_510, %get3A_511] {strides = array<i32>} : memref<16x16xf32, #tpu.memory_space<vmem>>, vector<16xf32>,
      %add3A_513 = arith.addf %add3A_508, %get3A_512 : vector<16xf32>
      %get3A_514 = arith.constant 12 : i32
      %get3A_515 = arith.index_cast %get3A_514 : i32 to index
      %get3A_516 = arith.constant 0 : index
      %get3A_517 = tpu.vector_load %arg10[%get3A_515, %get3A_516] {strides = array<i32>} : memref<16x16xf32, #tpu.memory_space<vmem>>, vector<16xf32>,
      %add3A_518 = arith.addf %add3A_513, %get3A_517 : vector<16xf32>
      %get3A_519 = arith.constant 13 : i32
      %get3A_520 = arith.index_cast %get3A_519 : i32 to index
      %get3A_521 = arith.constant 0 : index
      %get3A_522 = tpu.vector_load %arg10[%get3A_520, %get3A_521] {strides = array<i32>} : memref<16x16xf32, #tpu.memory_space<vmem>>, vector<16xf32>,
      %add3A_523 = arith.addf %add3A_518, %get3A_522 : vector<16xf32>
      %get3A_524 = arith.constant 14 : i32
      %get3A_525 = arith.index_cast %get3A_524 : i32 to index
      %get3A_526 = arith.constant 0 : index
      %get3A_527 = tpu.vector_load %arg10[%get3A_525, %get3A_526] {strides = array<i32>} : memref<16x16xf32, #tpu.memory_space<vmem>>, vector<16xf32>,
      %add3A_528 = arith.addf %add3A_523, %get3A_527 : vector<16xf32>
      %get3A_529 = arith.constant 15 : i32
      %get3A_530 = arith.index_cast %get3A_529 : i32 to index
      %get3A_531 = arith.constant 0 : index
      %get3A_532 = tpu.vector_load %arg10[%get3A_530, %get3A_531] {strides = array<i32>} : memref<16x16xf32, #tpu.memory_space<vmem>>, vector<16xf32>,
      %add3A_533 = arith.addf %add3A_528, %get3A_532 : vector<16xf32>
      %reduce_sum3A = arith.constant true
      %reduce_sum3A_534 = vector.broadcast %reduce_sum3A : i1 to vector<16xi1>
      %reduce_sum3A_535 = tpu.scan <sum>, %add3A_533 masked %reduce_sum3A_534 : vector<16xf32>, vector<16xi1> -> vector<16xf32>
      %reduce_sum3A_536 = vector.extract %reduce_sum3A_535[15] : f32 from vector<16xf32>
      %mul3A_537 = arith.constant -9.765625E-4 : f32
      %mul3A_538 = arith.mulf %reduce_sum3A_536, %mul3A_537 : f32
      %broadcast_in_dim3A = vector.broadcast %mul3A_538 : f32 to vector<16xf32>
      %swap3A_539 = arith.constant 0 : index
      %swap3A_540 = tpu.vector_load %arg9[%swap3A_539] {strides = array<i32>} : memref<16xf32, #tpu.memory_space<vmem>>, vector<16xf32>,
      tpu.vector_store %arg9[%swap3A_539], %broadcast_in_dim3A {strides = array<i32>} : memref<16xf32, #tpu.memory_space<vmem>>, vector<16xf32>,
      "tpu.region"() ({
        %run_scoped3A = tpu.sem_alloc : memref<!tpu.dma_semaphore, #tpu.memory_space<semaphore_mem>>
        tpu.enqueue_dma source(%arg9 : memref<16xf32, #tpu.memory_space<vmem>>) target(%arg5 : memref<16xf32, #tpu.memory_space<hbm>>) target_semaphore(%run_scoped3A : memref<!tpu.dma_semaphore, #tpu.memory_space<semaphore_mem>>)
        tpu.wait_dma2 semaphore(%run_scoped3A : memref<!tpu.dma_semaphore, #tpu.memory_space<semaphore_mem>>) src(%arg9 : memref<16xf32, #tpu.memory_space<vmem>>) dst(%arg5 : memref<16xf32, #tpu.memory_space<hbm>>)
        tpu.yield
      }) : () -> ()
    } else {
    }
    return
  }
}

</mosaic_0001>

<sc_bundles>
// kernel: kernel.3.cloned.1.call-start
scs
__scs_entry_jumppad:
0x0: {  	(pc) =	sbr.rel $0x88, $3  }
0x1: {  	(tag) =	ssettag $0x0;
	lr =	simm.s32 $0x1  }
0x2: {  	[smem:$0x3F9F] =	sst lr;
	_ =	strace $0xD0000000  }
0x3: {  	_ = 	snop  }
0x4: {  	_ = 	snop  }
0x5: {  	_ = 	snop  }
0x6: {  	_ = 	snop  }
0x7: {  	_ = 	snop  }
__scs_overlays_trampoline_lowered:
0x8: {  	[smem:$0x3FAE] =	sst s0  }
0x9: {  	[smem:$0x3FAF] =	sst s1  }
0xa: {  	[smem:$0x3FB0] =	sst s2  }
0xb: {  	[smem:$0x3FB1] =	sst s3  }
0xc: {  	[smem:$0x3FB2] =	sst s4  }
0xd: {  	[smem:$0x3FB3] =	sst s5  }
0xe: {  	[smem:$0x3FB4] =	sst s6  }
0xf: {  	[smem:$0x3FB5] =	sst s7  }
0x10: {  	[smem:$0x3FB6] =	sst s8  }
0x11: {  	[smem:$0x3FB7] =	sst s9;
	s0 =	simm.s32 @!p0 $0x0  }
0x12: {  	s1 =	sld [smem:$0x3F9D];
	s0 =	simm.s32 @p0 $0x1  }
0x13: {  	[smem:$0x3FB8] =	sst s0;
	s0 =	simm.s32 @!p1 $0x0  }
0x14: {  	s2 =	sld [smem:$0x3F9C];
	s0 =	simm.s32 @p1 $0x1  }
0x15: {  	[smem:$0x3FB9] =	sst s0;
	s0 =	simm.s32 @!p2 $0x0  }
0x16: {  	s3 =	sld [smem:$0x3FDB];
	s0 =	simm.s32 @p2 $0x1  }
0x17: {  	s4 =	simm.s32 $0x1BF5;
	[smem:$0x3FBB] =	sst s0  }
0x18: {  	s0 =	sld [smem:$0x3F9E];
	_ =	swait.ge [sflag:s4], $0x0  }
0x19: {  	s7 =	sld [smem:$0x3F9F]  }
0x1a: {  	s8 =	sadd.s32 $0xFFFFE003, lr  }
0x1b: {  	s9 =	sadd.s32 $0xFFFFFEF7, lr;
	s5 =	simm.s32 $0xFFFFFFFF;
	p2 =	slt.u32 s8, $0xFFFFF086  }
0x1c: {  	p1 =	slt.u32 s9, $0xF7A;
	s5 =	simm.s32 @!p2 $0x0  }
0x1d: {  	s5 =	simm.s32 @p1 $0x1;
	p0 =	seq.s32 s7, s2  }
0x1e: {  	s7 =	smul.u32 @!p0 $0xF7A, s2;
	p2 =	seq.s32 @!p0 s5, $0x0  }
0x1f: {  	s9 =	smul.u32 $0xF7A, s1;
	s8 =	simm.s32 @!p0 $0x1BF5;
	p2 =	por !p2, p0  }
0x20: {  	[sflag:s8] =	ssyncset.s32 @!p0 $0xFFFFF086;
	s6 =	sadd.s32 @!p0 s3, s7;
	s7 =	simm.s32 @!p0 $0x108  }
0x21: {  	s3 =	sadd.s32 s3, s9;
	s6 =	sadd.s32 @!p0 $0x88, s6;
	s7 =	simm.s32 @p2 $0x1082  }
0x22: {  	[simem:s7], [sflag:s8] =	dma.local @!p0 [hbm:s6], $0xF7A  }
0x23: {  	s9 =	sor.u32 $0xD0000000, s2;
	s6 =	simm.s32 $0x108;
	_ =	swait.ge @!p0 [sflag:s8], $0x0  }
0x24: {  	s3 =	sadd.s32 $0x88, s3;
	s6 =	simm.s32 @!p1 $0x1082;
	[sflag:s4] =	ssyncset.s32 $0xFFFFF086  }
0x25: {  	[simem:s6], [sflag:s4] =	dma.local [hbm:s3], $0xF7A  }
0x26: {  	[smem:$0x3F9F] =	sst s1;
	(tag) =	ssettag s2;
	_ =	strace s9  }
0x27: {  	s1 =	sld [smem:$0x3FAF]  }
0x28: {  	s2 =	sld [smem:$0x3FB0]  }
0x29: {  	s4 =	sld [smem:$0x3FB2]  }
0x2a: {  	p0 =	seq.s32 s5, $0x0;
	s5 =	sld [smem:$0x3FB3]  }
0x2b: {  	s6 =	sld [smem:$0x3FB4]  }
0x2c: {  	s7 =	sld [smem:$0x3FB5]  }
0x2d: {  	s3 =	simm.s32 $0x108;
	s8 =	sld [smem:$0x3FB6]  }
0x2e: {  	s3 =	simm.s32 @!p0 $0x1082;
	s9 =	sld [smem:$0x3FB7]  }
0x2f: {  	lr =	sadd.s32 s0, s3;
	s0 =	sld [smem:$0x3FAE]  }
0x30: {  	s3 =	sld [smem:$0x3FB1]  }
0x31: {  	[smem:$0x3FBA] =	sst s10  }
0x32: {  	s10 =	sld [smem:$0x3FB8];
	_ =	sdelay $0x3  }
0x33: {  	p0 =	seq.s32 s10, $0x1;
	s10 =	sld [smem:$0x3FBA];
	_ =	sdelay $0x3  }
0x34: {  	[smem:$0x3FBA] =	sst s10  }
0x35: {  	s10 =	sld [smem:$0x3FB9];
	_ =	sdelay $0x3  }
0x36: {  	p1 =	seq.s32 s10, $0x1;
	s10 =	sld [smem:$0x3FBA];
	_ =	sdelay $0x3  }
0x37: {  	[smem:$0x3FBA] =	sst s10  }
0x38: {  	s10 =	sld [smem:$0x3FBB]  }
0x39: {  	_ = 	snop;
	(pc) =	sbr.ind lr, $3  }
0x3a: {  	_ = 	snop  }
0x3b: {  	_ = 	snop  }
0x3c: {  	p2 =	seq.s32 s10, $0x1;
	s10 =	sld [smem:$0x3FBA]  }
0x3d: {  	_ =	shalt  }
0x3e: {  	_ =	shalt  }
0x3f: {  	_ =	shalt  }
0x40: {  	_ =	shalt  }
0x41: {  	_ =	shalt  }
0x42: {  	_ =	shalt  }
0x43: {  	_ =	shalt  }
0x44: {  	_ =	shalt  }
0x45: {  	_ =	shalt  }
0x46: {  	_ =	shalt  }
0x47: {  	_ =	shalt  }
0x48: {  	_ =	shalt  }
0x49: {  	_ =	shalt  }
0x4a: {  	_ =	shalt  }
0x4b: {  	_ =	shalt  }
0x4c: {  	_ =	shalt  }
0x4d: {  	_ =	shalt  }
0x4e: {  	_ =	shalt  }
0x4f: {  	_ =	shalt  }
0x50: {  	_ =	shalt  }
0x51: {  	_ =	shalt  }
0x52: {  	_ =	shalt  }
0x53: {  	_ =	shalt  }
0x54: {  	_ =	shalt  }
0x55: {  	_ =	shalt  }
0x56: {  	_ =	shalt  }
0x57: {  	_ =	shalt  }
0x58: {  	_ =	shalt  }
0x59: {  	_ =	shalt  }
0x5a: {  	_ =	shalt  }
0x5b: {  	_ =	shalt  }
0x5c: {  	_ =	shalt  }
0x5d: {  	_ =	shalt  }
0x5e: {  	_ =	shalt  }
0x5f: {  	_ =	shalt  }
0x60: {  	_ =	shalt  }
0x61: {  	_ =	shalt  }
0x62: {  	_ =	shalt  }
0x63: {  	_ =	shalt  }
0x64: {  	_ =	shalt  }
0x65: {  	_ =	shalt  }
0x66: {  	_ =	shalt  }
0x67: {  	_ =	shalt  }
0x68: {  	_ =	shalt  }
0x69: {  	_ =	shalt  }
0x6a: {  	_ =	shalt  }
0x6b: {  	_ =	shalt  }
0x6c: {  	_ =	shalt  }
0x6d: {  	_ =	shalt  }
0x6e: {  	_ =	shalt  }
0x6f: {  	_ =	shalt  }
0x70: {  	_ =	shalt  }
0x71: {  	_ =	shalt  }
0x72: {  	_ =	shalt  }
0x73: {  	_ =	shalt  }
0x74: {  	_ =	shalt  }
0x75: {  	_ =	shalt  }
0x76: {  	_ =	shalt  }
0x77: {  	_ =	shalt  }
0x78: {  	_ =	shalt  }
0x79: {  	_ =	shalt  }
0x7a: {  	_ =	shalt  }
0x7b: {  	_ =	shalt  }
0x7c: {  	_ =	shalt  }
0x7d: {  	_ =	shalt  }
0x7e: {  	_ =	shalt  }
0x7f: {  	_ =	shalt  }
0x80: {  	_ =	shalt  }
0x81: {  	_ =	shalt  }
0x82: {  	_ =	shalt  }
0x83: {  	_ =	shalt  }
0x84: {  	_ =	shalt  }
0x85: {  	_ =	shalt  }
0x86: {  	_ =	shalt  }
0x87: {  	_ =	shalt  }
.Lfunc_end0:
.L_simem_size_0:
called_computation_lowered:
.L_overlay_start_0:
0x88: {  	s0 =	sld [smem:$0x3FD9]  }
0x89: {  	s1 =	sld [smem:$0x3FFE];
	_ =	sdelay $0x3  }
0x8a: {  	s0 =	sadd.s32 s1, s0  }
0x8b: {  	[smem:$0x3FC6] =	sst s0  }
0x8c: {  	_ = 	snop  }
0x8d: {  	s0 =	sld [smem:$0x3FC9]  }
0x8e: {  	s16 =	sld [smem:$0x3FC8]  }
0x8f: {  	s2 =	sld [smem:$0x3FD0];
	(tm) =	ssettm $0x1  }
0x90: {  	s3 =	sld [smem:$0x3FFB];
	_ =	sdelay $0x3  }
0x91: {  	_ =	strace s3  }
0x92: {  	s3 =	sld [smem:$0x3FFC];
	_ =	sdelay $0x3  }
0x93: {  	_ =	strace s3  }
0x94: {  	s3 =	sld [smem:$0x3FFD];
	_ =	sdelay $0x3  }
0x95: {  	_ =	strace s3  }
0x96: {  	_ =	strace $0x8FFFFFFF  }
0x97: {  	s17 =	sld [smem:$0x3FDB];
	_ =	sdelay $0x1  }
0x98: {  	s4 =	simm.s32 $_scs_section_size  }
0x99: {  	s5 =	simm.s32 $_size__tile_overlayer_lowered;
	s6 =	simm.s32 $_tile_overlayer_lowered  }
0x9a: {  	s20 =	simm.s32 $0x1BFF;
	s19 =	sshll.u32 s6, $0x1;
	s3 =	sadd.s32 s4, s17  }
0x9b: {  	s7 =	simm.s32 $0x0;
	s18 =	sshll.u32 s5, $0x1;
	s5 =	sadd.s32 s19, s3  }
0x9c: {  	[timem:s7], [sflag:s20] =	dma.local [hbm:s5], s18  }
0x9d: {  	_ =	swait.ge [sflag:s20], s18  }
0x9e: {  	s4 =	ssub.s32 $0x0, s18;
	[sflag:s20] =	ssyncset.done $0x0  }
0x9f: {  	[sflag:s20] =	ssyncadd.s32 s4;
	_ =	sdelay $0x1  }
0xa0: {  	s21 =	simm.s32 $0x1B8B  }
0xa1: {  	_ =	swait.ge [sflag:s21], $0x1  }
0xa2: {  	[sflag:s21] =	ssyncset.done $0x0  }
0xa3: {  	s23 =	simm.s32 $0x1B8E;
	s22 =	sld [smem:$0x3FFE];
	[sflag:s21] =	ssyncadd.s32 $0xFFFFFFFF  }
0xa4: {  	s24 =	simm.s32 $execute0_lowered;
	[smem:$0x3FD2] =	sst s23  }
0xa5: {  	s5 =	sshll.u32 s24, $0x1;
	_ =	strace $0x80000046;
	[dreg:$0x1] =	wrdreg $0xFFFFFFFF  }
0xa6: {  	s25 =	simm.s32 $_size_execute0_lowered;
	s3 =	sadd.s32 s3, s5;
	[dreg:$0x0] =	wrdreg $0x0  }
0xa7: {  	s5 =	sshll.u32 s25, $0x1;
	[dreg:$0x2] =	wrdreg s3  }
0xa8: {  	[dreg:$0x3] =	wrdreg s5  }
0xa9: {  	[dreg:$0x4] =	wrdreg $0xC0  }
0xaa: {  	_ =	task [dreg:s7], $0x5FFFF  }
0xab: {  	[dreg:$0x1] =	wrdreg $0xFFFFFFFF  }
0xac: {  	[dreg:$0x0] =	wrdreg $0x60  }
0xad: {  	[dreg:$0x2] =	wrdreg s0  }
0xae: {  	[dreg:$0x3] =	wrdreg s16  }
0xaf: {  	[dreg:$0x4] =	wrdreg s22  }
0xb0: {  	[dreg:$0x5] =	wrdreg s2  }
0xb1: {  	[dreg:$0x6] =	wrdreg $0x9  }
0xb2: {  	_ =	task.clear_ibuf [dreg:s7], $0x7FFFF;
	_ =	strace $0x90000046  }
0xb3: {  	s26 =	simm.s32 $0x9;
	_ =	strace $0x80000048  }
0xb4: {  	_ =	swait.ge [sflag:s26], $0x1  }
0xb5: {  	[sflag:s26] =	ssyncadd.s32 $0xFFFFFFFF  }
0xb6: {  	_ =	strace $0x90000048  }
0xb7: {  	_ =	sfence  }
0xb8: {  	s28 =	sld [smem:$0x0];
	_ =	sdelay $0x1  }
0xb9: {  	s29 =	srdreg.scid  }
0xba: {  	s30 =	sshll.u32 s29, $0xD;
	s31 =	sshrl.u32 s29, $0x2  }
0xbb: {  	s1 =	sand.u32 $0x1, s29;
	s2 =	sand.u32 $0x4000, s30;
	s0 =	sadd.s32 s31, s28  }
0xbc: {  	s1 =	sor.u32 s2, s1;
	s0 =	sshll.u32 s0, $0x11  }
0xbd: {  	s0 =	sor.u32 s0, s1  }
0xbe: {  	s0 =	sadd.s32 $0x8F2B, s0  }
0xbf: {  	[sflag:s0] =	ssyncadd.remote.s32 $0x1  }
0xc0: {  	_ =	sfence.sel $0xFFFF  }
0xc1: {  	[dreg:$0x0] =	wrdreg $0xFFFFFFFF;
	(pc) =	sbr.abs _section_cstart, $3  }
0xc2: {  	[dreg:$0x1] =	wrdreg $0xFFFFFFFF  }
0xc3: {  	_ =	task.clear_ibuf [dreg:s7], $0x2FFFF;
	_ =	strace $0x9FFFFFFF  }
0xc4: {  	(tm) =	ssettm $0x7FFFFFFF  }
0xc5: {  	_ =	shalt  }
tec
execute0_lowered:
.L_overlay_start_1:
0x0: {  	(tag) =	ssettag $0x1  }
0x1: {  	s6 =	rddreg [dreg:$0x0]  }
0x2: {  	s5 =	rddreg [dreg:$0x1]  }
0x3: {  	s4 =	rddreg [dreg:$0x2]  }
0x4: {  	s1 =	rddreg [dreg:$0x3]  }
0x5: {  	s0 =	rddreg [dreg:$0x4];
	s3 =	simm.s32 $0x0;
	s2 =	stileid.u32  }
0x6: {  	[smem:$0x7FF] =	sst s3;
	s7 =	sshll.u32 s2, $0x3  }
0x7: {  	s23 =	simm.s32 $0x2;
	_ =	strace $0x80000047;
	s5 =	sadd.s32 s5, s7  }
0x8: {  	[tilespmem:s3], [sflag:$0x2] =	stream.linear.gather [hbm4b:s5+s3], $0x40, $0x38;
	[tilespmem:$0xA00] =	vst v63  }
0x9: {  	v1 =	vlaneseq.u32;
	s8 =	sshll.u32 s2, $0x6;
	_ =	swait.ge [sflag:s23], $0x40  }
0xa: {  	v0 =	vmov s8;
	s24 =	sor.u32 $0x10, s8;
	v2 =	vor.u32 s8, v1;
	[sflag:s23] =	ssyncset.done $0x0  }
0xb: {  	s25 =	sor.u32 $0x20, s8;
	v0 =	vshll.u32 v0, $0x3;
	v3 =	vmov s24;
	v2 =	vand.u32 $0x4F, v2;
	[sflag:s23] =	ssyncadd.s32 $0xFFFFFFC0  }
0xc: {  	s8 =	sor.u32 $0x30, s8;
	v4 =	vor.u32 s24, v1;
	v5 =	vmov s25;
	v11 =	vor.u32 s25, v1;
	v6 =	vld [tilespmem:$0x0]  }
0xd: {  	v7 =	vmov s8;
	v1 =	vor.u32 s8, v1;
	v0 =	vand.u32 $0x1C00, v0;
	v63 =	vld [tilespmem:$0x10]  }
0xe: {  	v3 =	vshll.u32 v3, $0x3;
	v4 =	vand.u32 $0x5F, v4;
	v62 =	vshll.u32 v5, $0x3;
	v13 =	vld [tilespmem:$0x20]  }
0xf: {  	v5 =	vand.u32 $0x6F, v11;
	v7 =	vshll.u32 v7, $0x3;
	v1 =	vand.u32 $0x7F, v1;
	v8 =	vld [tilespmem:$0x30]  }
0x10: {  	v3 =	vand.u32 $0x1C00, v3;
	v0 =	vor.u32 v0, v2;
	v12 =	vand.u32 $0x1C00, v7  }
0x11: {  	v61 =	vor.u32 v3, v4;
	v3 =	vand.u32 $0x1C00, v62;
	v1 =	vor.u32 v12, v1  }
0x12: {  	v3 =	vor.u32 v3, v5;
	v14 =	vshll.u32 v6, $0xA;
	v6 =	vshll.u32 v6, $0x7  }
0x13: {  	v9 =	vshll.u32 v63, $0xA;
	v4 =	vshll.u32 v63, $0x7;
	v16 =	vshll.u32 v13, $0xA  }
0x14: {  	v17 =	vshll.u32 v13, $0x7;
	v18 =	vshll.u32 v8, $0xA;
	v21 =	vshll.u32 v8, $0x7  }
0x15: {  	v5 =	vand.u32 $0xFFFFE000, v14;
	v6 =	vand.u32 $0x380, v6;
	v15 =	vand.u32 $0xFFFFE000, v9  }
0x16: {  	v4 =	vand.u32 $0x380, v4;
	v20 =	vand.u32 $0xFFFFE000, v18;
	v0 =	vor.u32 v5, v0  }
0x17: {  	v22 =	vand.u32 $0x380, v21;
	v2 =	vor.u32 v15, v61;
	v0 =	vor.u32 v6, v0  }
0x18: {  	v1 =	vor.u32 v20, v1;
	v2 =	vor.u32 v4, v2;
	v4 =	vand.u32 $0xFFFFE000, v16;
	[tilespmem:$0x80] =	vst v0  }
0x19: {  	v5 =	vand.u32 $0x380, v17;
	v23 =	vor.u32 v22, v1;
	v19 =	vor.u32 v4, v3;
	[tilespmem:$0x90] =	vst v2  }
0x1a: {  	s26 =	simm.s32 $0x40;
	[tilespmem:$0xB0] =	vst v23;
	v0 =	vor.u32 v5, v19  }
0x1b: {  	s28 =	simm.s32 $0x80;
	s9 =	simm.s32 $0x100;
	s29 =	simm.s32 $0x1;
	[tilespmem:$0xA0] =	vst v0  }
0x1c: {  	[tilespmem:s9], [sflag:$0x1] =	stream.indirect.gather [hbm4b:s6+s26], $0x1, s28, s26, $0xb8;
	[tilespmem:$0xA00] =	vst v63  }
0x1d: {  	_ =	swait.ge [sflag:s29], $0x40  }
0x1e: {  	[sflag:s29] =	ssyncset.done $0x0  }
0x1f: {  	[sflag:s29] =	ssyncadd.s32 $0xFFFFFFC0  }
0x20: {  	v24 =	vld [tilespmem:$0x100]  }
0x21: {  	v27 =	vld [tilespmem:$0x110]  }
0x22: {  	v31 =	vld [tilespmem:$0x120]  }
0x23: {  	v32 =	vld [tilespmem:$0x130];
	_ =	sdelay $0x2  }
0x24: {  	v12 =	vimm.s32 $0x0  }
0x25: {  	v25 =	vand.u32 $0x7FFFFF, v24;
	v29 =	vand.u32 $0x7FFFFF, v27;
	v34 =	vand.u32 $0x7FFFFF, v31  }
0x26: {  	v36 =	vand.u32 $0x7FFFFF, v32;
	v0 =	vshrl.u32 v24, $0x17;
	v3 =	vshrl.u32 v27, $0x17  }
0x27: {  	v6 =	vshrl.u32 v31, $0x17;
	v5 =	vshrl.u32 v32, $0x17;
	v1 =	vor.u32 $0x3F800000, v25  }
0x28: {  	v4 =	vor.u32 $0x3F800000, v29;
	v8 =	vor.u32 $0x3F800000, v34;
	v9 =	vor.u32 $0x3F800000, v36  }
0x29: {  	v26 =	vmul.f32 $5.000000000e-01, v1;
	vm3 =	vgt.u32 v1, $0x3FB504F2;
	v30 =	vmul.f32 $5.000000000e-01, v4  }
0x2a: {  	vm2 =	vgt.u32 v4, $0x3FB504F2;
	v35 =	vmul.f32 $5.000000000e-01, v8;
	vm1 =	vgt.u32 v8, $0x3FB504F2  }
0x2b: {  	v10 =	vmul.f32 $5.000000000e-01, v9;
	v1 =	vsel vm3, v26, v1;
	v4 =	vsel vm2, v30, v4  }
0x2c: {  	v8 =	vsel vm1, v35, v8;
	v1 =	vadd.f32 $-1.000000000e+00, v1;
	v4 =	vadd.f32 $-1.000000000e+00, v4  }
0x2d: {  	vm0 =	vgt.u32 v9, $0x3FB504F2;
	v13 =	vsel vm3, $0x1, v12;
	v8 =	vadd.f32 $-1.000000000e+00, v8  }
0x2e: {  	v9 =	vsel vm0, v10, v9;
	v28 =	vmul.f32 $7.037683580e-02, v1;
	v33 =	vmul.f32 $7.037683580e-02, v4  }
0x2f: {  	v15 =	vsel vm2, $0x1, v12;
	v9 =	vadd.f32 $-1.000000000e+00, v9;
	v11 =	vmul.f32 $7.037683580e-02, v8  }
0x30: {  	v43 =	vsel vm1, $0x1, v12;
	v2 =	vadd.f32 $-1.151461010e-01, v28;
	v7 =	vadd.f32 $-1.151461010e-01, v33  }
0x31: {  	v12 =	vsel vm0, $0x1, v12;
	v38 =	vmul.f32 $7.037683580e-02, v9;
	v37 =	vadd.f32 $-1.151461010e-01, v11  }
0x32: {  	v0 =	vadd.s32 v13, v0;
	v2 =	vmul.f32 v2, v1;
	v7 =	vmul.f32 v7, v4  }
0x33: {  	v3 =	vadd.s32 v15, v3;
	v11 =	vadd.f32 $-1.151461010e-01, v38;
	v10 =	vmul.f32 v37, v8  }
0x34: {  	v6 =	vadd.s32 v43, v6;
	v2 =	vadd.f32 $1.167699840e-01, v2;
	v7 =	vadd.f32 $1.167699840e-01, v7  }
0x35: {  	v5 =	vadd.s32 v12, v5;
	v11 =	vmul.f32 v11, v9;
	v10 =	vadd.f32 $1.167699840e-01, v10  }
0x36: {  	v0 =	vadd.s32 $0xFFFFFF81, v0;
	v2 =	vmul.f32 v2, v1;
	v7 =	vmul.f32 v7, v4  }
0x37: {  	v3 =	vadd.s32 $0xFFFFFF81, v3;
	v11 =	vadd.f32 $1.167699840e-01, v11;
	v10 =	vmul.f32 v10, v8  }
0x38: {  	v6 =	vadd.s32 $0xFFFFFF81, v6;
	v2 =	vadd.f32 $-1.242014100e-01, v2;
	v7 =	vadd.f32 $-1.242014100e-01, v7  }
0x39: {  	v0 =	vcvt.s32.f32 v0;
	v11 =	vmul.f32 v11, v9;
	v10 =	vadd.f32 $-1.242014100e-01, v10  }
0x3a: {  	v5 =	vadd.s32 $0xFFFFFF81, v5;
	v2 =	vmul.f32 v2, v1;
	v7 =	vmul.f32 v7, v4  }
0x3b: {  	v3 =	vcvt.s32.f32 v3;
	v11 =	vadd.f32 $-1.242014100e-01, v11;
	v10 =	vmul.f32 v10, v8  }
0x3c: {  	v6 =	vcvt.s32.f32 v6;
	v2 =	vadd.f32 $1.424932330e-01, v2;
	v7 =	vadd.f32 $1.424932330e-01, v7  }
0x3d: {  	v5 =	vcvt.s32.f32 v5;
	v11 =	vmul.f32 v11, v9;
	v10 =	vadd.f32 $1.424932330e-01, v10  }
0x3e: {  	v2 =	vmul.f32 v2, v1;
	v7 =	vmul.f32 v7, v4  }
0x3f: {  	v39 =	vmul.f32 v1, v1;
	v11 =	vadd.f32 $1.424932330e-01, v11;
	v10 =	vmul.f32 v10, v8  }
0x40: {  	v41 =	vmul.f32 v4, v4;
	v2 =	vadd.f32 $-1.666805740e-01, v2;
	v7 =	vadd.f32 $-1.666805740e-01, v7  }
0x41: {  	v45 =	vmul.f32 v8, v8;
	v11 =	vmul.f32 v11, v9;
	v10 =	vadd.f32 $-1.666805740e-01, v10  }
0x42: {  	v2 =	vmul.f32 v2, v1;
	v7 =	vmul.f32 v7, v4  }
0x43: {  	v47 =	vmul.f32 v9, v9;
	v11 =	vadd.f32 $-1.666805740e-01, v11;
	v10 =	vmul.f32 v10, v8  }
0x44: {  	v40 =	vmul.f32 $2.121944420e-04, v0;
	v2 =	vadd.f32 $2.000071410e-01, v2;
	v7 =	vadd.f32 $2.000071410e-01, v7  }
0x45: {  	v42 =	vmul.f32 $2.121944420e-04, v3;
	v11 =	vmul.f32 v11, v9;
	v10 =	vadd.f32 $2.000071410e-01, v10  }
0x46: {  	v2 =	vmul.f32 v2, v1;
	v7 =	vmul.f32 v7, v4  }
0x47: {  	v48 =	vmul.f32 $2.121944420e-04, v6;
	v11 =	vadd.f32 $2.000071410e-01, v11;
	v10 =	vmul.f32 v10, v8  }
0x48: {  	v52 =	vmul.f32 $2.121944420e-04, v5;
	v2 =	vadd.f32 $-2.499999400e-01, v2;
	v7 =	vadd.f32 $-2.499999400e-01, v7  }
0x49: {  	v14 =	vmul.f32 v39, v1;
	v11 =	vmul.f32 v11, v9;
	v10 =	vadd.f32 $-2.499999400e-01, v10  }
0x4a: {  	v2 =	vmul.f32 v2, v1;
	v7 =	vmul.f32 v7, v4  }
0x4b: {  	v13 =	vmul.f32 $5.000000000e-01, v39;
	v11 =	vadd.f32 $-2.499999400e-01, v11;
	v10 =	vmul.f32 v10, v8  }
0x4c: {  	v16 =	vmul.f32 v41, v4;
	v2 =	vadd.f32 $3.333333130e-01, v2;
	v7 =	vadd.f32 $3.333333130e-01, v7  }
0x4d: {  	v46 =	vmul.f32 v45, v8;
	v11 =	vmul.f32 v11, v9;
	v10 =	vadd.f32 $3.333333130e-01, v10  }
0x4e: {  	v2 =	vmul.f32 v2, v14;
	v7 =	vmul.f32 v7, v16  }
0x4f: {  	v49 =	vmul.f32 v47, v9;
	v11 =	vadd.f32 $3.333333130e-01, v11;
	v10 =	vmul.f32 v10, v46  }
0x50: {  	v44 =	vmul.f32 $5.000000000e-01, v41;
	v2 =	vsub.f32 v2, v40;
	v7 =	vsub.f32 v7, v42  }
0x51: {  	v51 =	vmul.f32 $5.000000000e-01, v45;
	v11 =	vmul.f32 v11, v49;
	v10 =	vsub.f32 v10, v48  }
0x52: {  	v0 =	vmul.f32 $6.933593750e-01, v0;
	v2 =	vsub.f32 v2, v13;
	v50 =	vsub.f32 v7, v44  }
0x53: {  	v55 =	vmul.f32 $5.000000000e-01, v47;
	v54 =	vsub.f32 v11, v52;
	v53 =	vsub.f32 v10, v51  }
0x54: {  	v3 =	vmul.f32 $6.933593750e-01, v3;
	v1 =	vadd.f32 v2, v1;
	v2 =	vadd.f32 v50, v4  }
0x55: {  	v58 =	vsub.f32 v54, v55;
	v57 =	vadd.f32 v53, v8  }
0x56: {  	v59 =	vmul.f32 $6.933593750e-01, v6;
	v0 =	vadd.f32 v1, v0;
	v56 =	vadd.f32 v2, v3  }
0x57: {  	v61 =	vadd.f32 v58, v9  }
0x58: {  	v62 =	vmul.f32 $6.933593750e-01, v5;
	v60 =	vadd.f32 v57, v59;
	v0 =	vadd.f32 v56, v0;
	_ =	sdelay $0x1  }
0x59: {  	v63 =	vadd.f32 v61, v62;
	v0 =	vadd.f32 v60, v0;
	_ =	sdelay $0x1  }
0x5a: {  	v0 =	vadd.f32 v63, v0  }
0x5b: {  	s4 =	sadd.s32 $0x800, s4;
	s30 =	sshll.u32 s2, $0x4  }
0x5c: {  	s31 =	simm.s32 $0x180;
	s6 =	sadd.s32 s4, s30;
	[tilespmem:$0x180] =	vst v0  }
0x5d: {  	[hbm4b:s6+s3] =	stream.linear.scatter [tilespmem:s31], [sflag:$0x2], $0x80, $0x38;
	[tilespmem:$0xA00] =	vst v63  }
0x5e: {  	_ =	swait.ge [sflag:s23], $0x80  }
0x5f: {  	[sflag:s23] =	ssyncset.done $0x0  }
0x60: {  	[sflag:s23] =	ssyncadd.s32 $0xFFFFFF80  }
0x61: {  	p0 =	sne.s32 s2, $0x0;
	[bflag:$0x0] =	sbarrier.arrive $0xFFFF  }
0x62: {  	_ =	sfence.sel @p0 $0x180000  }
0x63: {  	[bflag:$0x0] =	sbarrier.arrive @p0 $0xFFFF  }
0x64: {  	_ =	strace @p0 $0x90000047  }
0x65: {  	s2 =	simm.s32 @!p0 $0x0;
	s3 =	simm.s32 @!p0 $0x200;
	[bflag:$0x2] =	sbarrier.arrive @p0 $0xFFFF  }
0x66: {  	[tilespmem:s3], [sflag:$0x2] =	stream.linear.gather @!p0 [hbm4b:s4+s2], $0x800, $0x38;
	[tilespmem:$0xA00] =	vst v63  }
0x67: {  	s3 =	simm.s32 @!p0 $0x2  }
0x68: {  	_ =	swait.ge @!p0 [sflag:s3], $0x800  }
0x69: {  	[sflag:s3] =	ssyncset.done @!p0 $0x0  }
0x6a: {  	[sflag:s3] =	ssyncadd.s32 @!p0 $0xFFFFF800  }
0x6b: {  	v0 =	vld @!p0 [tilespmem:$0x200]  }
0x6c: {  	v1 =	vld @!p0 [tilespmem:$0x280];
	_ =	sdelay $0x1  }
0x6d: {  	v2 =	vld @!p0 [tilespmem:$0x300];
	_ =	sdelay $0x1  }
0x6e: {  	v3 =	vld @!p0 [tilespmem:$0x380]  }
0x6f: {  	v0 =	vadd.f32 @!p0 v1, v0  }
0x70: {  	v1 =	vld @!p0 [tilespmem:$0x400]  }
0x71: {  	v0 =	vadd.f32 @!p0 v2, v0  }
0x72: {  	v2 =	vld @!p0 [tilespmem:$0x480]  }
0x73: {  	v0 =	vadd.f32 @!p0 v3, v0  }
0x74: {  	v3 =	vld @!p0 [tilespmem:$0x500]  }
0x75: {  	v0 =	vadd.f32 @!p0 v1, v0  }
0x76: {  	v1 =	vld @!p0 [tilespmem:$0x580]  }
0x77: {  	v0 =	vadd.f32 @!p0 v2, v0  }
0x78: {  	v2 =	vld @!p0 [tilespmem:$0x600]  }
0x79: {  	v0 =	vadd.f32 @!p0 v3, v0  }
0x7a: {  	v3 =	vld @!p0 [tilespmem:$0x680]  }
0x7b: {  	v0 =	vadd.f32 @!p0 v1, v0  }
0x7c: {  	v1 =	vld @!p0 [tilespmem:$0x700]  }
0x7d: {  	v0 =	vadd.f32 @!p0 v2, v0  }
0x7e: {  	v2 =	vld @!p0 [tilespmem:$0x780]  }
0x7f: {  	v0 =	vadd.f32 @!p0 v3, v0  }
0x80: {  	v3 =	vld @!p0 [tilespmem:$0x800]  }
0x81: {  	v0 =	vadd.f32 @!p0 v1, v0  }
0x82: {  	v1 =	vld @!p0 [tilespmem:$0x880]  }
0x83: {  	v0 =	vadd.f32 @!p0 v2, v0  }
0x84: {  	v2 =	vld @!p0 [tilespmem:$0x900]  }
0x85: {  	v0 =	vadd.f32 @!p0 v3, v0  }
0x86: {  	v3 =	vld @!p0 [tilespmem:$0x980]  }
0x87: {  	v0 =	vadd.f32 @!p0 v1, v0;
	_ =	sdelay $0x1  }
0x88: {  	v0 =	vadd.f32 @!p0 v2, v0;
	_ =	sdelay $0x1  }
0x89: {  	v0 =	vadd.f32 @!p0 v3, v0;
	_ =	sdelay $0x1  }
0x8a: {  	(xrf2) =	vadd.scan.msk.f32 @!p0 $0xffff, v0;
	_ =	sdelay $0x9  }
0x8b: {  	v0, _, _ =	vpop @!p0 (xrf2)  }
0x8c: {  	(v2sf) =	vpush @!p0 v0, $0xF;
	_ =	sdelay $0xe  }
0x8d: {  	s4 =	spop @!p0 (v2sf)  }
0x8e: {  	s4 =	smul.f32 @!p0 $-9.765625000e-04, s4;
	_ =	sdelay $0x1  }
0x8f: {  	v0 =	vmov @!p0 s4  }
0x90: {  	s4 =	simm.s32 @!p0 $0x180;
	[tilespmem:$0x180] =	vst @!p0 v0  }
0x91: {  	[hbm4b:s1+s2] =	stream.linear.scatter @!p0 [tilespmem:s4], [sflag:$0x2], $0x80, $0x38;
	[tilespmem:$0xA00] =	vst v63  }
0x92: {  	_ =	swait.ge @!p0 [sflag:s3], $0x80  }
0x93: {  	[sflag:s3] =	ssyncset.done @!p0 $0x0  }
0x94: {  	[sflag:s3] =	ssyncadd.s32 @!p0 $0xFFFFFF80  }
0x95: {  	_ =	sfence.sel @!p0 $0x180000  }
0x96: {  	[bflag:$0x0] =	sbarrier.arrive @!p0 $0xFFFF  }
0x97: {  	_ =	strace @!p0 $0x90000047  }
0x98: {  	s0 =	sadd.s32 @!p0 $0x100000, s0;
	[bflag:$0x2] =	sbarrier.arrive @!p0 $0xFFFF  }
0x99: {  	[sflag:s0] =	ssyncadd.tile.s32 @!p0 $0x1;
	_ =	shalt  }
.Lfunc_end2:
_tile_overlayer_lowered:
.L_overlay_start_2:
0x9a: {  	(tag) =	ssettag $0x2  }
0x9b: {  	s0 =	rddreg [dreg:$0x0];
	s2 =	stileid.u32  }
0x9c: {  	s1 =	rddreg [dreg:$0x1];
	p0 =	sne.s32 s2, $0x0  }
0x9d: {  	s3 =	rddreg [dreg:$0x2];
	[bflag:$0x3] =	sbarrier.arrive $0xFFFF;
	s2 =	simm.s32 @!p0 $0x1C02  }
0x9e: {  	[timem:s3], [sflag:s2] =	dma.local @!p0 [hbm:s0], s1  }
0x9f: {  	s0 =	simm.s32 @!p0 $0x2  }
0xa0: {  	_ =	swait.ge @!p0 [sflag:s0], s1  }
0xa1: {  	s1 =	ssub.s32 @!p0 $0x0, s1;
	[sflag:s0] =	ssyncset.done @!p0 $0x0  }
0xa2: {  	[sflag:s0] =	ssyncadd.s32 @!p0 s1  }
0xa3: {  	[bflag:$0x3] =	sbarrier.arrive $0xFFFF  }
0xa4: {  	_ =	shalt  }

</sc_bundles>
